<compile_context>
chip_gen: v7x
topology: tpu7x:2x2x1
jax: 0.10.2.dev20260603
libtpu: 0.0.44.dev20260713+nightly
codegen_flags: <defaults>
</compile_context>

<pallas_src>
import jax
import jax.numpy as jnp
from jax import lax
from jax.experimental import pallas as pl
from jax.experimental.pallas import tpu as pltpu
from jax.experimental.pallas import tpu_sc as plsc

NC = 2
NS = 16
NW = NC * NS

V = 100000
D = 128
G = 4
CHUNK = 50
NB = 2
N_ROWS = 4096 * 50
ROWS_PER_W = N_ROWS // NW
NCHUNK = ROWS_PER_W // CHUNK
DW = D // 2
OROW = CHUNK // 2


def _body(w_hbm, s_hbm, idx_hbm, out_hbm,
          idx_v, w_buf, s_buf, o_buf, g_sems, o_sems):
    wid = lax.axis_index("s") * NC + lax.axis_index("c")

    pltpu.sync_copy(idx_hbm.at[pl.ds(wid * NCHUNK, NCHUNK)], idx_v)

    lane = lax.iota(jnp.int32, 16)
    col01 = (lane >= 8).astype(jnp.int32)
    wcol_e = lane * 2
    wcol_o = lane * 2 + 1

    def gather(j, b):
        idx_row = idx_v.at[j]
        dw = pltpu.make_async_copy(w_hbm.at[idx_row], w_buf.at[b],
                                   g_sems.at[b])
        ds = pltpu.make_async_copy(s_hbm.at[idx_row], s_buf.at[b],
                                   g_sems.at[b])
        return (dw, ds)

    def writeback(j, b):
        return pltpu.make_async_copy(
            o_buf.at[b],
            out_hbm.at[pl.ds((wid * NCHUNK + j) * 32, OROW)],
            o_sems.at[b])

    def compute(b):
        w_ref = w_buf.at[b]
        s_ref = s_buf.at[b]
        o_ref = o_buf.at[b]

        def row_body(r, carry):
            rvec = jnp.full((16,), r, jnp.int32)
            ovec = jnp.full((16,), r >> 1, jnp.int32)
            obase = (r & 1) * DW
            for h in range(2):
                w8 = w_ref[r, pl.ds(h * 64, 64)]
                lo, hi = plsc.unpack(w8, format=plsc.PackFormat.INTERLEAVED,
                                     preferred_element_type=jnp.int16)
                svi = plsc.load_gather(s_ref, [rvec, col01 + 2 * h])
                sv = plsc.bitcast(svi, jnp.float16)
                plo = lo.astype(jnp.float16) * sv
                phi = hi.astype(jnp.float16) * sv
                lo32 = plsc.bitcast(plo, jnp.int32)
                hi32 = plsc.bitcast(phi, jnp.int32)
                we = (lo32 & 0xFFFF) | (hi32 << 16)
                wo = lax.shift_right_logical(lo32, 16) | (hi32 & -65536)
                plsc.store_scatter(o_ref, [ovec, obase + wcol_e + 32 * h], we)
                plsc.store_scatter(o_ref, [ovec, obase + wcol_o + 32 * h], wo)
            return carry

        lax.fori_loop(0, CHUNK, row_body, 0)

    for d in gather(0, 0):
        d.start()
    for b in range(NB):
        writeback(b, b).start()

    def chunk_body(j, carry):
        b = j & 1
        nb = 1 - b
        jn = jnp.minimum(j + 1, NCHUNK - 1)
        for d in gather(jn, nb):
            d.start()
        for d in gather(j, b):
            d.wait()
        writeback(j, b).wait()
        compute(b)
        writeback(j, b).start()
        return carry

    lax.fori_loop(0, NCHUNK, chunk_body, 0)

    for d in gather(NCHUNK - 1, NCHUNK & 1):
        d.wait()
    for b in range(NB):
        writeback(NCHUNK - NB + b, (NCHUNK - NB + b) & 1).wait()


@jax.jit
def _run(weight, scales32, indices):
    mesh = plsc.VectorSubcoreMesh(core_axis_name="c", subcore_axis_name="s",
                                  num_cores=NC, num_subcores=NS)
    return pl.kernel(
        _body,
        out_type=jax.ShapeDtypeStruct((4096 * 32, 2 * DW), jnp.int32),
        mesh=mesh,
        scratch_types=[
            pltpu.VMEM((NCHUNK, CHUNK), jnp.int32),
            pltpu.VMEM((NB, CHUNK, D), jnp.int8),
            pltpu.VMEM((NB, CHUNK, G), jnp.int32),
            pltpu.VMEM((NB, OROW, 2 * DW), jnp.int32),
            pltpu.SemaphoreType.DMA((NB,)),
            pltpu.SemaphoreType.DMA((NB,)),
        ],
        compiler_params=pltpu.CompilerParams(needs_layout_passes=False,
                                             use_tc_tiling_on_sc=False),
    )(weight, scales32, indices)


def kernel(weight, scales, indices):
    B, L = indices.shape
    sbits = lax.bitcast_convert_type(scales, jnp.uint16).astype(jnp.uint32)
    sdup = lax.bitcast_convert_type(sbits * jnp.uint32(0x10001), jnp.int32)
    out_words = _run(weight, sdup, indices)
    out = lax.bitcast_convert_type(out_words.reshape(B, 32, D), jnp.float16)
    return out.reshape(B, 64, D)[:, :L, :]

# --- scband reference (transcript-rebuilt; emitter-appended) ---
"""Pipeline reference for scband-quantized-group-embedding-5952824672397 (READ-ONLY COPY).

The authoritative reference and input builder live on the scoring server;
editing this copy changes nothing except your own understanding.
"""

import jax, jax.numpy as jnp
import numpy as np

V = 100000
D = 128
GROUP_SIZE = 32
B = 4096
L = 50


def setup_inputs(seed: int = 0) -> dict:
    key = jax.random.key(seed)
    k1, k2, k3 = jax.random.split(key, 3)
    G = D // GROUP_SIZE
    # int8 quantized weight buffer (stored as int8, random in [-128, 127])
    weight = jax.random.randint(k1, (V, D), -128, 128, dtype=jnp.int32).astype(jnp.int8)
    # per-channel-group scales, float16, positive
    scales = (jax.random.uniform(k2, (V, G), dtype=jnp.float32) * 0.01 + 1e-4).astype(jnp.float16)
    indices = jax.random.randint(k3, (B, L), 0, V, dtype=jnp.int32)
    return {"weight": weight, "scales": scales, "indices": indices}


def reference(weight, scales, indices):
    # dequantize_per_channel_group (zero_points=None -> 0), then embedding gather,
    # then cast to the module dtype (torch.half -> float16)
    Vv, Dv = weight.shape
    G = scales.shape[1] if scales.ndim == 2 else 1
    gs = Dv // G
    w = weight.astype(jnp.float32).reshape(Vv, G, gs)
    s = scales.astype(jnp.float32).reshape(Vv, G, 1)
    deq = (w * s).reshape(Vv, Dv)
    out = jnp.take(deq, indices, axis=0)
    return out.astype(jnp.float16)

if __name__ == "__main__":
    import jax
    _d = setup_inputs()
    print(jax.jit(kernel)(*tuple(_d.values())))

</pallas_src>

<mosaic_0001>
#map = affine_map<(d0, d1) -> (0, 0)>
module attributes {stable_mosaic.version = 14 : i64} {
  func.func @_body(%arg0: i32, %arg1: i32, %arg2: memref<100000x128xi8, #tpu.memory_space<hbm>>, %arg3: memref<100000x4xi32, #tpu.memory_space<hbm>>, %arg4: memref<4096x50xi32, #tpu.memory_space<hbm>>, %arg5: memref<131072x128xi32, #tpu.memory_space<hbm>>, %arg6: memref<128x50xi32, #tpu.memory_space<vmem>>, %arg7: memref<2x50x128xi8, #tpu.memory_space<vmem>>, %arg8: memref<2x50x4xi32, #tpu.memory_space<vmem>>, %arg9: memref<2x25x128xi32, #tpu.memory_space<vmem>>, %arg10: memref<2x!tpu.dma_semaphore, #tpu.memory_space<semaphore_mem>>, %arg11: memref<2x!tpu.dma_semaphore, #tpu.memory_space<semaphore_mem>>) attributes {dimension_semantics = [#tpu.dimension_semantics<core_parallel>, #tpu.dimension_semantics<subcore_parallel>], iteration_bounds = array<i64: 2, 16>, scalar_prefetch = 0 : i64, scratch_operands = 6 : i64, tpu.core_type = #tpu.core_type<sc_vector_subcore>, window_params = [{transform_indices = #map}, {transform_indices = #map}, {transform_indices = #map}, {transform_indices = #map}]} {
    %mul3A = arith.constant 2 : i32
    %mul3A_0 = arith.muli %arg1, %mul3A : i32
    %add3A = arith.addi %mul3A_0, %arg0 : i32
    %mul3A_1 = arith.constant 128 : i32
    %mul3A_2 = arith.muli %add3A, %mul3A_1 : i32
    "tpu.region"() ({
      %run_scoped3A = tpu.sem_alloc : memref<!tpu.dma_semaphore, #tpu.memory_space<semaphore_mem>>
      %dma_start3A_165 = arith.constant 0 : i32
      %dma_start3A_166 = tpu.memref_slice %arg4[%mul3A_2, %dma_start3A_165] : memref<4096x50xi32, #tpu.memory_space<hbm>> -> memref<128x50xi32, #tpu.memory_space<hbm>>
      %dma_start3A_167 = arith.constant 0 : i32
      %dma_start3A_168 = tpu.memref_slice %arg4[%mul3A_2, %dma_start3A_167] : memref<4096x50xi32, #tpu.memory_space<hbm>> -> memref<128x50xi32, #tpu.memory_space<hbm>>
      tpu.enqueue_dma source(%dma_start3A_168 : memref<128x50xi32, #tpu.memory_space<hbm>>) target(%arg6 : memref<128x50xi32, #tpu.memory_space<vmem>>) target_semaphore(%run_scoped3A : memref<!tpu.dma_semaphore, #tpu.memory_space<semaphore_mem>>)
      %dma_wait3A_169 = arith.constant 0 : i32
      %dma_wait3A_170 = tpu.memref_slice %arg4[%mul3A_2, %dma_wait3A_169] : memref<4096x50xi32, #tpu.memory_space<hbm>> -> memref<128x50xi32, #tpu.memory_space<hbm>>
      %dma_wait3A_171 = arith.constant 0 : i32
      %dma_wait3A_172 = tpu.memref_slice %arg4[%mul3A_2, %dma_wait3A_171] : memref<4096x50xi32, #tpu.memory_space<hbm>> -> memref<128x50xi32, #tpu.memory_space<hbm>>
      tpu.wait_dma2 semaphore(%run_scoped3A : memref<!tpu.dma_semaphore, #tpu.memory_space<semaphore_mem>>) src(%dma_wait3A_172 : memref<128x50xi32, #tpu.memory_space<hbm>>) dst(%arg6 : memref<128x50xi32, #tpu.memory_space<vmem>>)
      tpu.yield
    }) : () -> ()
    %iota3A = tpu.iota {dimensions = array<i32: 0>} : vector<16xi32>
    %ge3A = arith.constant 8 : i32
    %ge3A_3 = vector.broadcast %ge3A : i32 to vector<16xi32>
    %ge3A_4 = arith.cmpi sge, %iota3A, %ge3A_3 : vector<16xi32>
    %convert_element_type3A = arith.extui %ge3A_4 : vector<16xi1> to vector<16xi32>
    %mul3A_5 = arith.constant 2 : i32
    %mul3A_6 = vector.broadcast %mul3A_5 : i32 to vector<16xi32>
    %mul3A_7 = arith.muli %iota3A, %mul3A_6 : vector<16xi32>
    %mul3A_8 = arith.constant 2 : i32
    %mul3A_9 = vector.broadcast %mul3A_8 : i32 to vector<16xi32>
    %mul3A_10 = arith.muli %iota3A, %mul3A_9 : vector<16xi32>
    %add3A_11 = arith.constant 1 : i32
    %add3A_12 = vector.broadcast %add3A_11 : i32 to vector<16xi32>
    %add3A_13 = arith.addi %mul3A_10, %add3A_12 : vector<16xi32>
    %dma_start3A = arith.constant 0 : i32
    %dma_start3A_14 = arith.constant 0 : i32
    %dma_start3A_15 = arith.constant 0 : i32
    %dma_start3A_16 = arith.constant 0 : i32
    %dma_start3A_17 = arith.constant 0 : i32
    %dma_start3A_18 = tpu.memref_slice %arg7[%dma_start3A_14, %dma_start3A_16, %dma_start3A_17] : memref<2x50x128xi8, #tpu.memory_space<vmem>> -> memref<1x50x128xi8, #tpu.memory_space<vmem>>
    %dma_start3A_19 = tpu.memref_squeeze %dma_start3A_18 : memref<1x50x128xi8, #tpu.memory_space<vmem>> -> memref<50x128xi8, #tpu.memory_space<vmem>>
    %dma_start3A_20 = arith.constant 0 : i32
    %dma_start3A_21 = tpu.memref_slice %arg6[%dma_start3A, %dma_start3A_20] : memref<128x50xi32, #tpu.memory_space<vmem>> -> memref<1x50xi32, #tpu.memory_space<vmem>>
    %dma_start3A_22 = tpu.memref_squeeze %dma_start3A_21 : memref<1x50xi32, #tpu.memory_space<vmem>> -> memref<50xi32, #tpu.memory_space<vmem>>
    %dma_start3A_23 = arith.constant 0 : i32
    %dma_start3A_24 = arith.constant 0 : i32
    %dma_start3A_25 = tpu.memref_slice %arg2[%dma_start3A_23, %dma_start3A_24] : memref<100000x128xi8, #tpu.memory_space<hbm>> -> memref<100000x128xi8, #tpu.memory_space<hbm>>
    %dma_start3A_26 = tpu.memref_slice %arg10[%dma_start3A_15] : memref<2x!tpu.dma_semaphore, #tpu.memory_space<semaphore_mem>> -> memref<1x!tpu.dma_semaphore, #tpu.memory_space<semaphore_mem>>
    %dma_start3A_27 = tpu.memref_squeeze %dma_start3A_26 : memref<1x!tpu.dma_semaphore, #tpu.memory_space<semaphore_mem>> -> memref<!tpu.dma_semaphore, #tpu.memory_space<semaphore_mem>>
    tpu.enqueue_indirect_dma source(%dma_start3A_25 : memref<100000x128xi8, #tpu.memory_space<hbm>>) target(%dma_start3A_19 : memref<50x128xi8, #tpu.memory_space<vmem>>) offsets(%dma_start3A_22 : memref<50xi32, #tpu.memory_space<vmem>>) semaphore(%dma_start3A_27 : memref<!tpu.dma_semaphore, #tpu.memory_space<semaphore_mem>>)
    %dma_start3A_28 = arith.constant 0 : i32
    %dma_start3A_29 = arith.constant 0 : i32
    %dma_start3A_30 = arith.constant 0 : i32
    %dma_start3A_31 = arith.constant 0 : i32
    %dma_start3A_32 = arith.constant 0 : i32
    %dma_start3A_33 = tpu.memref_slice %arg8[%dma_start3A_29, %dma_start3A_31, %dma_start3A_32] : memref<2x50x4xi32, #tpu.memory_space<vmem>> -> memref<1x50x4xi32, #tpu.memory_space<vmem>>
    %dma_start3A_34 = tpu.memref_squeeze %dma_start3A_33 : memref<1x50x4xi32, #tpu.memory_space<vmem>> -> memref<50x4xi32, #tpu.memory_space<vmem>>
    %dma_start3A_35 = arith.constant 0 : i32
    %dma_start3A_36 = tpu.memref_slice %arg6[%dma_start3A_28, %dma_start3A_35] : memref<128x50xi32, #tpu.memory_space<vmem>> -> memref<1x50xi32, #tpu.memory_space<vmem>>
    %dma_start3A_37 = tpu.memref_squeeze %dma_start3A_36 : memref<1x50xi32, #tpu.memory_space<vmem>> -> memref<50xi32, #tpu.memory_space<vmem>>
    %dma_start3A_38 = arith.constant 0 : i32
    %dma_start3A_39 = arith.constant 0 : i32
    %dma_start3A_40 = tpu.memref_slice %arg3[%dma_start3A_38, %dma_start3A_39] : memref<100000x4xi32, #tpu.memory_space<hbm>> -> memref<100000x4xi32, #tpu.memory_space<hbm>>
    %dma_start3A_41 = tpu.memref_slice %arg10[%dma_start3A_30] : memref<2x!tpu.dma_semaphore, #tpu.memory_space<semaphore_mem>> -> memref<1x!tpu.dma_semaphore, #tpu.memory_space<semaphore_mem>>
    %dma_start3A_42 = tpu.memref_squeeze %dma_start3A_41 : memref<1x!tpu.dma_semaphore, #tpu.memory_space<semaphore_mem>> -> memref<!tpu.dma_semaphore, #tpu.memory_space<semaphore_mem>>
    tpu.enqueue_indirect_dma source(%dma_start3A_40 : memref<100000x4xi32, #tpu.memory_space<hbm>>) target(%dma_start3A_34 : memref<50x4xi32, #tpu.memory_space<vmem>>) offsets(%dma_start3A_37 : memref<50xi32, #tpu.memory_space<vmem>>) semaphore(%dma_start3A_42 : memref<!tpu.dma_semaphore, #tpu.memory_space<semaphore_mem>>)
    %mul3A_43 = arith.constant 128 : i32
    %mul3A_44 = arith.muli %add3A, %mul3A_43 : i32
    %add3A_45 = arith.constant 0 : i32
    %add3A_46 = arith.addi %mul3A_44, %add3A_45 : i32
    %mul3A_47 = arith.constant 32 : i32
    %mul3A_48 = arith.muli %add3A_46, %mul3A_47 : i32
    %dma_start3A_49 = arith.constant 0 : i32
    %dma_start3A_50 = arith.constant 0 : i32
    %dma_start3A_51 = arith.constant 0 : i32
    %dma_start3A_52 = arith.constant 0 : i32
    %dma_start3A_53 = tpu.memref_slice %arg9[%dma_start3A_49, %dma_start3A_51, %dma_start3A_52] : memref<2x25x128xi32, #tpu.memory_space<vmem>> -> memref<1x25x128xi32, #tpu.memory_space<vmem>>
    %dma_start3A_54 = tpu.memref_squeeze %dma_start3A_53 : memref<1x25x128xi32, #tpu.memory_space<vmem>> -> memref<25x128xi32, #tpu.memory_space<vmem>>
    %dma_start3A_55 = arith.constant 0 : i32
    %dma_start3A_56 = tpu.memref_slice %arg5[%mul3A_48, %dma_start3A_55] : memref<131072x128xi32, #tpu.memory_space<hbm>> -> memref<25x128xi32, #tpu.memory_space<hbm>>
    %dma_start3A_57 = tpu.memref_slice %arg11[%dma_start3A_50] : memref<2x!tpu.dma_semaphore, #tpu.memory_space<semaphore_mem>> -> memref<1x!tpu.dma_semaphore, #tpu.memory_space<semaphore_mem>>
    %dma_start3A_58 = tpu.memref_squeeze %dma_start3A_57 : memref<1x!tpu.dma_semaphore, #tpu.memory_space<semaphore_mem>> -> memref<!tpu.dma_semaphore, #tpu.memory_space<semaphore_mem>>
    %dma_start3A_59 = arith.constant 0 : i32
    %dma_start3A_60 = tpu.memref_slice %arg5[%mul3A_48, %dma_start3A_59] : memref<131072x128xi32, #tpu.memory_space<hbm>> -> memref<25x128xi32, #tpu.memory_space<hbm>>
    %dma_start3A_61 = arith.constant 0 : i32
    %dma_start3A_62 = arith.constant 0 : i32
    %dma_start3A_63 = tpu.memref_slice %arg9[%dma_start3A_49, %dma_start3A_61, %dma_start3A_62] : memref<2x25x128xi32, #tpu.memory_space<vmem>> -> memref<1x25x128xi32, #tpu.memory_space<vmem>>
    %dma_start3A_64 = tpu.memref_squeeze %dma_start3A_63 : memref<1x25x128xi32, #tpu.memory_space<vmem>> -> memref<25x128xi32, #tpu.memory_space<vmem>>
    tpu.enqueue_dma source(%dma_start3A_64 : memref<25x128xi32, #tpu.memory_space<vmem>>) target(%dma_start3A_60 : memref<25x128xi32, #tpu.memory_space<hbm>>) target_semaphore(%dma_start3A_58 : memref<!tpu.dma_semaphore, #tpu.memory_space<semaphore_mem>>)
    %mul3A_65 = arith.constant 128 : i32
    %mul3A_66 = arith.muli %add3A, %mul3A_65 : i32
    %add3A_67 = arith.constant 1 : i32
    %add3A_68 = arith.addi %mul3A_66, %add3A_67 : i32
    %mul3A_69 = arith.constant 32 : i32
    %mul3A_70 = arith.muli %add3A_68, %mul3A_69 : i32
    %dma_start3A_71 = arith.constant 1 : i32
    %dma_start3A_72 = arith.constant 1 : i32
    %dma_start3A_73 = arith.constant 0 : i32
    %dma_start3A_74 = arith.constant 0 : i32
    %dma_start3A_75 = tpu.memref_slice %arg9[%dma_start3A_71, %dma_start3A_73, %dma_start3A_74] : memref<2x25x128xi32, #tpu.memory_space<vmem>> -> memref<1x25x128xi32, #tpu.memory_space<vmem>>
    %dma_start3A_76 = tpu.memref_squeeze %dma_start3A_75 : memref<1x25x128xi32, #tpu.memory_space<vmem>> -> memref<25x128xi32, #tpu.memory_space<vmem>>
    %dma_start3A_77 = arith.constant 0 : i32
    %dma_start3A_78 = tpu.memref_slice %arg5[%mul3A_70, %dma_start3A_77] : memref<131072x128xi32, #tpu.memory_space<hbm>> -> memref<25x128xi32, #tpu.memory_space<hbm>>
    %dma_start3A_79 = tpu.memref_slice %arg11[%dma_start3A_72] : memref<2x!tpu.dma_semaphore, #tpu.memory_space<semaphore_mem>> -> memref<1x!tpu.dma_semaphore, #tpu.memory_space<semaphore_mem>>
    %dma_start3A_80 = tpu.memref_squeeze %dma_start3A_79 : memref<1x!tpu.dma_semaphore, #tpu.memory_space<semaphore_mem>> -> memref<!tpu.dma_semaphore, #tpu.memory_space<semaphore_mem>>
    %dma_start3A_81 = arith.constant 0 : i32
    %dma_start3A_82 = tpu.memref_slice %arg5[%mul3A_70, %dma_start3A_81] : memref<131072x128xi32, #tpu.memory_space<hbm>> -> memref<25x128xi32, #tpu.memory_space<hbm>>
    %dma_start3A_83 = arith.constant 0 : i32
    %dma_start3A_84 = arith.constant 0 : i32
    %dma_start3A_85 = tpu.memref_slice %arg9[%dma_start3A_71, %dma_start3A_83, %dma_start3A_84] : memref<2x25x128xi32, #tpu.memory_space<vmem>> -> memref<1x25x128xi32, #tpu.memory_space<vmem>>
    %dma_start3A_86 = tpu.memref_squeeze %dma_start3A_85 : memref<1x25x128xi32, #tpu.memory_space<vmem>> -> memref<25x128xi32, #tpu.memory_space<vmem>>
    tpu.enqueue_dma source(%dma_start3A_86 : memref<25x128xi32, #tpu.memory_space<vmem>>) target(%dma_start3A_82 : memref<25x128xi32, #tpu.memory_space<hbm>>) target_semaphore(%dma_start3A_80 : memref<!tpu.dma_semaphore, #tpu.memory_space<semaphore_mem>>)
    %scan3A = arith.constant 0 : i32
    %scan3A_87 = arith.constant 0 : i32
    %scan3A_88 = arith.constant 128 : i32
    %scan3A_89 = arith.addi %scan3A_87, %scan3A_88 : i32
    %scan3A_90 = arith.constant 1 : i32
    scf.for %scan3A_165 = %scan3A_87 to %scan3A_89 step %scan3A_90  : i32 {
      %and3A = arith.constant 1 : i32
      %and3A_166 = arith.andi %scan3A_165, %and3A : i32
      %sub3A = arith.constant 1 : i32
      %sub3A_167 = arith.subi %sub3A, %and3A_166 : i32
      %add3A_168 = arith.constant 1 : i32
      %add3A_169 = arith.addi %scan3A_165, %add3A_168 : i32
      %min3A = arith.constant 127 : i32
      %min3A_170 = arith.minsi %add3A_169, %min3A : i32
      %dma_start3A_171 = arith.constant 0 : i32
      %dma_start3A_172 = arith.constant 0 : i32
      %dma_start3A_173 = tpu.memref_slice %arg7[%sub3A_167, %dma_start3A_171, %dma_start3A_172] : memref<2x50x128xi8, #tpu.memory_space<vmem>> -> memref<1x50x128xi8, #tpu.memory_space<vmem>>
      %dma_start3A_174 = tpu.memref_squeeze %dma_start3A_173 : memref<1x50x128xi8, #tpu.memory_space<vmem>> -> memref<50x128xi8, #tpu.memory_space<vmem>>
      %dma_start3A_175 = arith.constant 0 : i32
      %dma_start3A_176 = tpu.memref_slice %arg6[%min3A_170, %dma_start3A_175] : memref<128x50xi32, #tpu.memory_space<vmem>> -> memref<1x50xi32, #tpu.memory_space<vmem>>
      %dma_start3A_177 = tpu.memref_squeeze %dma_start3A_176 : memref<1x50xi32, #tpu.memory_space<vmem>> -> memref<50xi32, #tpu.memory_space<vmem>>
      %dma_start3A_178 = arith.constant 0 : i32
      %dma_start3A_179 = arith.constant 0 : i32
      %dma_start3A_180 = tpu.memref_slice %arg2[%dma_start3A_178, %dma_start3A_179] : memref<100000x128xi8, #tpu.memory_space<hbm>> -> memref<100000x128xi8, #tpu.memory_space<hbm>>
      %dma_start3A_181 = tpu.memref_slice %arg10[%sub3A_167] : memref<2x!tpu.dma_semaphore, #tpu.memory_space<semaphore_mem>> -> memref<1x!tpu.dma_semaphore, #tpu.memory_space<semaphore_mem>>
      %dma_start3A_182 = tpu.memref_squeeze %dma_start3A_181 : memref<1x!tpu.dma_semaphore, #tpu.memory_space<semaphore_mem>> -> memref<!tpu.dma_semaphore, #tpu.memory_space<semaphore_mem>>
      tpu.enqueue_indirect_dma source(%dma_start3A_180 : memref<100000x128xi8, #tpu.memory_space<hbm>>) target(%dma_start3A_174 : memref<50x128xi8, #tpu.memory_space<vmem>>) offsets(%dma_start3A_177 : memref<50xi32, #tpu.memory_space<vmem>>) semaphore(%dma_start3A_182 : memref<!tpu.dma_semaphore, #tpu.memory_space<semaphore_mem>>)
      %dma_start3A_183 = arith.constant 0 : i32
      %dma_start3A_184 = arith.constant 0 : i32
      %dma_start3A_185 = tpu.memref_slice %arg8[%sub3A_167, %dma_start3A_183, %dma_start3A_184] : memref<2x50x4xi32, #tpu.memory_space<vmem>> -> memref<1x50x4xi32, #tpu.memory_space<vmem>>
      %dma_start3A_186 = tpu.memref_squeeze %dma_start3A_185 : memref<1x50x4xi32, #tpu.memory_space<vmem>> -> memref<50x4xi32, #tpu.memory_space<vmem>>
      %dma_start3A_187 = arith.constant 0 : i32
      %dma_start3A_188 = tpu.memref_slice %arg6[%min3A_170, %dma_start3A_187] : memref<128x50xi32, #tpu.memory_space<vmem>> -> memref<1x50xi32, #tpu.memory_space<vmem>>
      %dma_start3A_189 = tpu.memref_squeeze %dma_start3A_188 : memref<1x50xi32, #tpu.memory_space<vmem>> -> memref<50xi32, #tpu.memory_space<vmem>>
      %dma_start3A_190 = arith.constant 0 : i32
      %dma_start3A_191 = arith.constant 0 : i32
      %dma_start3A_192 = tpu.memref_slice %arg3[%dma_start3A_190, %dma_start3A_191] : memref<100000x4xi32, #tpu.memory_space<hbm>> -> memref<100000x4xi32, #tpu.memory_space<hbm>>
      %dma_start3A_193 = tpu.memref_slice %arg10[%sub3A_167] : memref<2x!tpu.dma_semaphore, #tpu.memory_space<semaphore_mem>> -> memref<1x!tpu.dma_semaphore, #tpu.memory_space<semaphore_mem>>
      %dma_start3A_194 = tpu.memref_squeeze %dma_start3A_193 : memref<1x!tpu.dma_semaphore, #tpu.memory_space<semaphore_mem>> -> memref<!tpu.dma_semaphore, #tpu.memory_space<semaphore_mem>>
      tpu.enqueue_indirect_dma source(%dma_start3A_192 : memref<100000x4xi32, #tpu.memory_space<hbm>>) target(%dma_start3A_186 : memref<50x4xi32, #tpu.memory_space<vmem>>) offsets(%dma_start3A_189 : memref<50xi32, #tpu.memory_space<vmem>>) semaphore(%dma_start3A_194 : memref<!tpu.dma_semaphore, #tpu.memory_space<semaphore_mem>>)
      %dma_wait3A_195 = arith.constant 0 : i32
      %dma_wait3A_196 = arith.constant 0 : i32
      %dma_wait3A_197 = tpu.memref_slice %arg7[%and3A_166, %dma_wait3A_195, %dma_wait3A_196] : memref<2x50x128xi8, #tpu.memory_space<vmem>> -> memref<1x50x128xi8, #tpu.memory_space<vmem>>
      %dma_wait3A_198 = tpu.memref_squeeze %dma_wait3A_197 : memref<1x50x128xi8, #tpu.memory_space<vmem>> -> memref<50x128xi8, #tpu.memory_space<vmem>>
      %dma_wait3A_199 = arith.constant 0 : i32
      %dma_wait3A_200 = tpu.memref_slice %arg6[%scan3A_165, %dma_wait3A_199] : memref<128x50xi32, #tpu.memory_space<vmem>> -> memref<1x50xi32, #tpu.memory_space<vmem>>
      %dma_wait3A_201 = tpu.memref_squeeze %dma_wait3A_200 : memref<1x50xi32, #tpu.memory_space<vmem>> -> memref<50xi32, #tpu.memory_space<vmem>>
      %dma_wait3A_202 = arith.constant 0 : i32
      %dma_wait3A_203 = arith.constant 0 : i32
      %dma_wait3A_204 = tpu.memref_slice %arg2[%dma_wait3A_202, %dma_wait3A_203] : memref<100000x128xi8, #tpu.memory_space<hbm>> -> memref<100000x128xi8, #tpu.memory_space<hbm>>
      %dma_wait3A_205 = tpu.memref_slice %arg10[%and3A_166] : memref<2x!tpu.dma_semaphore, #tpu.memory_space<semaphore_mem>> -> memref<1x!tpu.dma_semaphore, #tpu.memory_space<semaphore_mem>>
      %dma_wait3A_206 = tpu.memref_squeeze %dma_wait3A_205 : memref<1x!tpu.dma_semaphore, #tpu.memory_space<semaphore_mem>> -> memref<!tpu.dma_semaphore, #tpu.memory_space<semaphore_mem>>
      tpu.wait_indirect_dma semaphore(%dma_wait3A_206 : memref<!tpu.dma_semaphore, #tpu.memory_space<semaphore_mem>>) src(%dma_wait3A_204 : memref<100000x128xi8, #tpu.memory_space<hbm>>) dst(%dma_wait3A_198 : memref<50x128xi8, #tpu.memory_space<vmem>>)
      %dma_wait3A_207 = arith.constant 0 : i32
      %dma_wait3A_208 = arith.constant 0 : i32
      %dma_wait3A_209 = tpu.memref_slice %arg8[%and3A_166, %dma_wait3A_207, %dma_wait3A_208] : memref<2x50x4xi32, #tpu.memory_space<vmem>> -> memref<1x50x4xi32, #tpu.memory_space<vmem>>
      %dma_wait3A_210 = tpu.memref_squeeze %dma_wait3A_209 : memref<1x50x4xi32, #tpu.memory_space<vmem>> -> memref<50x4xi32, #tpu.memory_space<vmem>>
      %dma_wait3A_211 = arith.constant 0 : i32
      %dma_wait3A_212 = tpu.memref_slice %arg6[%scan3A_165, %dma_wait3A_211] : memref<128x50xi32, #tpu.memory_space<vmem>> -> memref<1x50xi32, #tpu.memory_space<vmem>>
      %dma_wait3A_213 = tpu.memref_squeeze %dma_wait3A_212 : memref<1x50xi32, #tpu.memory_space<vmem>> -> memref<50xi32, #tpu.memory_space<vmem>>
      %dma_wait3A_214 = arith.constant 0 : i32
      %dma_wait3A_215 = arith.constant 0 : i32
      %dma_wait3A_216 = tpu.memref_slice %arg3[%dma_wait3A_214, %dma_wait3A_215] : memref<100000x4xi32, #tpu.memory_space<hbm>> -> memref<100000x4xi32, #tpu.memory_space<hbm>>
      %dma_wait3A_217 = tpu.memref_slice %arg10[%and3A_166] : memref<2x!tpu.dma_semaphore, #tpu.memory_space<semaphore_mem>> -> memref<1x!tpu.dma_semaphore, #tpu.memory_space<semaphore_mem>>
      %dma_wait3A_218 = tpu.memref_squeeze %dma_wait3A_217 : memref<1x!tpu.dma_semaphore, #tpu.memory_space<semaphore_mem>> -> memref<!tpu.dma_semaphore, #tpu.memory_space<semaphore_mem>>
      tpu.wait_indirect_dma semaphore(%dma_wait3A_218 : memref<!tpu.dma_semaphore, #tpu.memory_space<semaphore_mem>>) src(%dma_wait3A_216 : memref<100000x4xi32, #tpu.memory_space<hbm>>) dst(%dma_wait3A_210 : memref<50x4xi32, #tpu.memory_space<vmem>>)
      %mul3A_219 = arith.constant 128 : i32
      %mul3A_220 = arith.muli %add3A, %mul3A_219 : i32
      %add3A_221 = arith.addi %mul3A_220, %scan3A_165 : i32
      %mul3A_222 = arith.constant 32 : i32
      %mul3A_223 = arith.muli %add3A_221, %mul3A_222 : i32
      %dma_wait3A_224 = arith.constant 0 : i32
      %dma_wait3A_225 = arith.constant 0 : i32
      %dma_wait3A_226 = tpu.memref_slice %arg9[%and3A_166, %dma_wait3A_224, %dma_wait3A_225] : memref<2x25x128xi32, #tpu.memory_space<vmem>> -> memref<1x25x128xi32, #tpu.memory_space<vmem>>
      %dma_wait3A_227 = tpu.memref_squeeze %dma_wait3A_226 : memref<1x25x128xi32, #tpu.memory_space<vmem>> -> memref<25x128xi32, #tpu.memory_space<vmem>>
      %dma_wait3A_228 = arith.constant 0 : i32
      %dma_wait3A_229 = tpu.memref_slice %arg5[%mul3A_223, %dma_wait3A_228] : memref<131072x128xi32, #tpu.memory_space<hbm>> -> memref<25x128xi32, #tpu.memory_space<hbm>>
      %dma_wait3A_230 = tpu.memref_slice %arg11[%and3A_166] : memref<2x!tpu.dma_semaphore, #tpu.memory_space<semaphore_mem>> -> memref<1x!tpu.dma_semaphore, #tpu.memory_space<semaphore_mem>>
      %dma_wait3A_231 = tpu.memref_squeeze %dma_wait3A_230 : memref<1x!tpu.dma_semaphore, #tpu.memory_space<semaphore_mem>> -> memref<!tpu.dma_semaphore, #tpu.memory_space<semaphore_mem>>
      %dma_wait3A_232 = arith.constant 0 : i32
      %dma_wait3A_233 = tpu.memref_slice %arg5[%mul3A_223, %dma_wait3A_232] : memref<131072x128xi32, #tpu.memory_space<hbm>> -> memref<25x128xi32, #tpu.memory_space<hbm>>
      %dma_wait3A_234 = arith.constant 0 : i32
      %dma_wait3A_235 = arith.constant 0 : i32
      %dma_wait3A_236 = tpu.memref_slice %arg9[%and3A_166, %dma_wait3A_234, %dma_wait3A_235] : memref<2x25x128xi32, #tpu.memory_space<vmem>> -> memref<1x25x128xi32, #tpu.memory_space<vmem>>
      %dma_wait3A_237 = tpu.memref_squeeze %dma_wait3A_236 : memref<1x25x128xi32, #tpu.memory_space<vmem>> -> memref<25x128xi32, #tpu.memory_space<vmem>>
      tpu.wait_dma2 semaphore(%dma_wait3A_231 : memref<!tpu.dma_semaphore, #tpu.memory_space<semaphore_mem>>) src(%dma_wait3A_237 : memref<25x128xi32, #tpu.memory_space<vmem>>) dst(%dma_wait3A_233 : memref<25x128xi32, #tpu.memory_space<hbm>>)
      %scan3A_238 = arith.constant 0 : i32
      %scan3A_239 = arith.constant 0 : i32
      %scan3A_240 = arith.constant 50 : i32
      %scan3A_241 = arith.addi %scan3A_239, %scan3A_240 : i32
      %scan3A_242 = arith.constant 1 : i32
      scf.for %scan3A_263 = %scan3A_239 to %scan3A_241 step %scan3A_242  : i32 {
        %broadcast_in_dim3A = vector.broadcast %scan3A_263 : i32 to vector<16xi32>
        %shift_right_arithmetic3A = arith.constant 1 : i32
        %shift_right_arithmetic3A_264 = arith.shrsi %scan3A_263, %shift_right_arithmetic3A : i32
        %broadcast_in_dim3A_265 = vector.broadcast %shift_right_arithmetic3A_264 : i32 to vector<16xi32>
        %and3A_266 = arith.constant 1 : i32
        %and3A_267 = arith.andi %scan3A_263, %and3A_266 : i32
        %mul3A_268 = arith.constant 64 : i32
        %mul3A_269 = arith.muli %and3A_267, %mul3A_268 : i32
        %get3A = arith.constant 0 : i32
        %get3A_270 = arith.constant 0 : i32
        %get3A_271 = tpu.memref_slice %arg7[%and3A_166, %get3A, %get3A_270] : memref<2x50x128xi8, #tpu.memory_space<vmem>> -> memref<1x50x128xi8, #tpu.memory_space<vmem>>
        %get3A_272 = tpu.memref_squeeze %get3A_271 : memref<1x50x128xi8, #tpu.memory_space<vmem>> -> memref<50x128xi8, #tpu.memory_space<vmem>>
        %get3A_273 = arith.index_cast %scan3A_263 : i32 to index
        %get3A_274 = arith.constant 0 : index
        %get3A_275 = tpu.vector_load %get3A_272[%get3A_273, %get3A_274] {strides = array<i32>} : memref<50x128xi8, #tpu.memory_space<vmem>>, vector<64xi8>,
        %unpack3A = tpu.unpack_subelements %get3A_275, 0 {pack_format = #tpu.pack_format<interleaved>} : vector<64xi8> -> vector<32xi16>
        %unpack3A_276 = tpu.unpack_subelements %get3A_275, 1 {pack_format = #tpu.pack_format<interleaved>} : vector<64xi8> -> vector<32xi16>
        %add3A_277 = arith.constant 0 : i32
        %add3A_278 = vector.broadcast %add3A_277 : i32 to vector<16xi32>
        %add3A_279 = arith.addi %convert_element_type3A, %add3A_278 : vector<16xi32>
        %gather3A = arith.constant 0 : i32
        %gather3A_280 = arith.constant 0 : i32
        %gather3A_281 = tpu.memref_slice %arg8[%and3A_166, %gather3A, %gather3A_280] : memref<2x50x4xi32, #tpu.memory_space<vmem>> -> memref<1x50x4xi32, #tpu.memory_space<vmem>>
        %gather3A_282 = tpu.memref_squeeze %gather3A_281 : memref<1x50x4xi32, #tpu.memory_space<vmem>> -> memref<50x4xi32, #tpu.memory_space<vmem>>
        %gather3A_283 = tpu.vector_load_idx %gather3A_282[%broadcast_in_dim3A, %add3A_279] : memref<50x4xi32, #tpu.memory_space<vmem>>[vector<16xi32>, vector<16xi32>], vector<16xi32>,
        %bitcast3A = vector.bitcast %gather3A_283 : vector<16xi32> to vector<32xf16>
        %convert_element_type3A_284 = arith.sitofp %unpack3A : vector<32xi16> to vector<32xf16>
        %mul3A_285 = arith.mulf %convert_element_type3A_284, %bitcast3A : vector<32xf16>
        %convert_element_type3A_286 = arith.sitofp %unpack3A_276 : vector<32xi16> to vector<32xf16>
        %mul3A_287 = arith.mulf %convert_element_type3A_286, %bitcast3A : vector<32xf16>
        %bitcast3A_288 = vector.bitcast %mul3A_285 : vector<32xf16> to vector<16xi32>
        %bitcast3A_289 = vector.bitcast %mul3A_287 : vector<32xf16> to vector<16xi32>
        %and3A_290 = arith.constant 65535 : i32
        %and3A_291 = vector.broadcast %and3A_290 : i32 to vector<16xi32>
        %and3A_292 = arith.andi %bitcast3A_288, %and3A_291 : vector<16xi32>
        %shift_left3A = arith.constant 16 : i32
        %shift_left3A_293 = vector.broadcast %shift_left3A : i32 to vector<16xi32>
        %shift_left3A_294 = arith.shli %bitcast3A_289, %shift_left3A_293 : vector<16xi32>
        %or3A = arith.ori %and3A_292, %shift_left3A_294 : vector<16xi32>
        %shift_right_logical3A = arith.constant 16 : i32
        %shift_right_logical3A_295 = vector.broadcast %shift_right_logical3A : i32 to vector<16xi32>
        %shift_right_logical3A_296 = arith.shrui %bitcast3A_288, %shift_right_logical3A_295 : vector<16xi32>
        %and3A_297 = arith.constant -65536 : i32
        %and3A_298 = vector.broadcast %and3A_297 : i32 to vector<16xi32>
        %and3A_299 = arith.andi %bitcast3A_289, %and3A_298 : vector<16xi32>
        %or3A_300 = arith.ori %shift_right_logical3A_296, %and3A_299 : vector<16xi32>
        %add3A_301 = vector.broadcast %mul3A_269 : i32 to vector<16xi32>
        %add3A_302 = arith.addi %add3A_301, %mul3A_7 : vector<16xi32>
        %add3A_303 = arith.constant 0 : i32
        %add3A_304 = vector.broadcast %add3A_303 : i32 to vector<16xi32>
        %add3A_305 = arith.addi %add3A_302, %add3A_304 : vector<16xi32>
        %scatter3A = arith.constant 0 : i32
        %scatter3A_306 = arith.constant 0 : i32
        %scatter3A_307 = tpu.memref_slice %arg9[%and3A_166, %scatter3A, %scatter3A_306] : memref<2x25x128xi32, #tpu.memory_space<vmem>> -> memref<1x25x128xi32, #tpu.memory_space<vmem>>
        %scatter3A_308 = tpu.memref_squeeze %scatter3A_307 : memref<1x25x128xi32, #tpu.memory_space<vmem>> -> memref<25x128xi32, #tpu.memory_space<vmem>>
        tpu.vector_store_idx %scatter3A_308[%broadcast_in_dim3A_265, %add3A_305], %or3A : memref<25x128xi32, #tpu.memory_space<vmem>>[vector<16xi32>, vector<16xi32>], vector<16xi32>,
        %add3A_309 = vector.broadcast %mul3A_269 : i32 to vector<16xi32>
        %add3A_310 = arith.addi %add3A_309, %add3A_13 : vector<16xi32>
        %add3A_311 = arith.constant 0 : i32
        %add3A_312 = vector.broadcast %add3A_311 : i32 to vector<16xi32>
        %add3A_313 = arith.addi %add3A_310, %add3A_312 : vector<16xi32>
        %scatter3A_314 = arith.constant 0 : i32
        %scatter3A_315 = arith.constant 0 : i32
        %scatter3A_316 = tpu.memref_slice %arg9[%and3A_166, %scatter3A_314, %scatter3A_315] : memref<2x25x128xi32, #tpu.memory_space<vmem>> -> memref<1x25x128xi32, #tpu.memory_space<vmem>>
        %scatter3A_317 = tpu.memref_squeeze %scatter3A_316 : memref<1x25x128xi32, #tpu.memory_space<vmem>> -> memref<25x128xi32, #tpu.memory_space<vmem>>
        tpu.vector_store_idx %scatter3A_317[%broadcast_in_dim3A_265, %add3A_313], %or3A_300 : memref<25x128xi32, #tpu.memory_space<vmem>>[vector<16xi32>, vector<16xi32>], vector<16xi32>,
        %get3A_318 = arith.constant 0 : i32
        %get3A_319 = arith.constant 0 : i32
        %get3A_320 = tpu.memref_slice %arg7[%and3A_166, %get3A_318, %get3A_319] : memref<2x50x128xi8, #tpu.memory_space<vmem>> -> memref<1x50x128xi8, #tpu.memory_space<vmem>>
        %get3A_321 = tpu.memref_squeeze %get3A_320 : memref<1x50x128xi8, #tpu.memory_space<vmem>> -> memref<50x128xi8, #tpu.memory_space<vmem>>
        %get3A_322 = arith.index_cast %scan3A_263 : i32 to index
        %get3A_323 = arith.constant 64 : index
        %get3A_324 = tpu.vector_load %get3A_321[%get3A_322, %get3A_323] {strides = array<i32>} : memref<50x128xi8, #tpu.memory_space<vmem>>, vector<64xi8>,
        %unpack3A_325 = tpu.unpack_subelements %get3A_324, 0 {pack_format = #tpu.pack_format<interleaved>} : vector<64xi8> -> vector<32xi16>
        %unpack3A_326 = tpu.unpack_subelements %get3A_324, 1 {pack_format = #tpu.pack_format<interleaved>} : vector<64xi8> -> vector<32xi16>
        %add3A_327 = arith.constant 2 : i32
        %add3A_328 = vector.broadcast %add3A_327 : i32 to vector<16xi32>
        %add3A_329 = arith.addi %convert_element_type3A, %add3A_328 : vector<16xi32>
        %gather3A_330 = arith.constant 0 : i32
        %gather3A_331 = arith.constant 0 : i32
        %gather3A_332 = tpu.memref_slice %arg8[%and3A_166, %gather3A_330, %gather3A_331] : memref<2x50x4xi32, #tpu.memory_space<vmem>> -> memref<1x50x4xi32, #tpu.memory_space<vmem>>
        %gather3A_333 = tpu.memref_squeeze %gather3A_332 : memref<1x50x4xi32, #tpu.memory_space<vmem>> -> memref<50x4xi32, #tpu.memory_space<vmem>>
        %gather3A_334 = tpu.vector_load_idx %gather3A_333[%broadcast_in_dim3A, %add3A_329] : memref<50x4xi32, #tpu.memory_space<vmem>>[vector<16xi32>, vector<16xi32>], vector<16xi32>,
        %bitcast3A_335 = vector.bitcast %gather3A_334 : vector<16xi32> to vector<32xf16>
        %convert_element_type3A_336 = arith.sitofp %unpack3A_325 : vector<32xi16> to vector<32xf16>
        %mul3A_337 = arith.mulf %convert_element_type3A_336, %bitcast3A_335 : vector<32xf16>
        %convert_element_type3A_338 = arith.sitofp %unpack3A_326 : vector<32xi16> to vector<32xf16>
        %mul3A_339 = arith.mulf %convert_element_type3A_338, %bitcast3A_335 : vector<32xf16>
        %bitcast3A_340 = vector.bitcast %mul3A_337 : vector<32xf16> to vector<16xi32>
        %bitcast3A_341 = vector.bitcast %mul3A_339 : vector<32xf16> to vector<16xi32>
        %and3A_342 = arith.constant 65535 : i32
        %and3A_343 = vector.broadcast %and3A_342 : i32 to vector<16xi32>
        %and3A_344 = arith.andi %bitcast3A_340, %and3A_343 : vector<16xi32>
        %shift_left3A_345 = arith.constant 16 : i32
        %shift_left3A_346 = vector.broadcast %shift_left3A_345 : i32 to vector<16xi32>
        %shift_left3A_347 = arith.shli %bitcast3A_341, %shift_left3A_346 : vector<16xi32>
        %or3A_348 = arith.ori %and3A_344, %shift_left3A_347 : vector<16xi32>
        %shift_right_logical3A_349 = arith.constant 16 : i32
        %shift_right_logical3A_350 = vector.broadcast %shift_right_logical3A_349 : i32 to vector<16xi32>
        %shift_right_logical3A_351 = arith.shrui %bitcast3A_340, %shift_right_logical3A_350 : vector<16xi32>
        %and3A_352 = arith.constant -65536 : i32
        %and3A_353 = vector.broadcast %and3A_352 : i32 to vector<16xi32>
        %and3A_354 = arith.andi %bitcast3A_341, %and3A_353 : vector<16xi32>
        %or3A_355 = arith.ori %shift_right_logical3A_351, %and3A_354 : vector<16xi32>
        %add3A_356 = vector.broadcast %mul3A_269 : i32 to vector<16xi32>
        %add3A_357 = arith.addi %add3A_356, %mul3A_7 : vector<16xi32>
        %add3A_358 = arith.constant 32 : i32
        %add3A_359 = vector.broadcast %add3A_358 : i32 to vector<16xi32>
        %add3A_360 = arith.addi %add3A_357, %add3A_359 : vector<16xi32>
        %scatter3A_361 = arith.constant 0 : i32
        %scatter3A_362 = arith.constant 0 : i32
        %scatter3A_363 = tpu.memref_slice %arg9[%and3A_166, %scatter3A_361, %scatter3A_362] : memref<2x25x128xi32, #tpu.memory_space<vmem>> -> memref<1x25x128xi32, #tpu.memory_space<vmem>>
        %scatter3A_364 = tpu.memref_squeeze %scatter3A_363 : memref<1x25x128xi32, #tpu.memory_space<vmem>> -> memref<25x128xi32, #tpu.memory_space<vmem>>
        tpu.vector_store_idx %scatter3A_364[%broadcast_in_dim3A_265, %add3A_360], %or3A_348 : memref<25x128xi32, #tpu.memory_space<vmem>>[vector<16xi32>, vector<16xi32>], vector<16xi32>,
        %add3A_365 = vector.broadcast %mul3A_269 : i32 to vector<16xi32>
        %add3A_366 = arith.addi %add3A_365, %add3A_13 : vector<16xi32>
        %add3A_367 = arith.constant 32 : i32
        %add3A_368 = vector.broadcast %add3A_367 : i32 to vector<16xi32>
        %add3A_369 = arith.addi %add3A_366, %add3A_368 : vector<16xi32>
        %scatter3A_370 = arith.constant 0 : i32
        %scatter3A_371 = arith.constant 0 : i32
        %scatter3A_372 = tpu.memref_slice %arg9[%and3A_166, %scatter3A_370, %scatter3A_371] : memref<2x25x128xi32, #tpu.memory_space<vmem>> -> memref<1x25x128xi32, #tpu.memory_space<vmem>>
        %scatter3A_373 = tpu.memref_squeeze %scatter3A_372 : memref<1x25x128xi32, #tpu.memory_space<vmem>> -> memref<25x128xi32, #tpu.memory_space<vmem>>
        tpu.vector_store_idx %scatter3A_373[%broadcast_in_dim3A_265, %add3A_369], %or3A_355 : memref<25x128xi32, #tpu.memory_space<vmem>>[vector<16xi32>, vector<16xi32>], vector<16xi32>,
      }
      %scan3A_243 = arith.constant 50 : i32
      %mul3A_244 = arith.constant 128 : i32
      %mul3A_245 = arith.muli %add3A, %mul3A_244 : i32
      %add3A_246 = arith.addi %mul3A_245, %scan3A_165 : i32
      %mul3A_247 = arith.constant 32 : i32
      %mul3A_248 = arith.muli %add3A_246, %mul3A_247 : i32
      %dma_start3A_249 = arith.constant 0 : i32
      %dma_start3A_250 = arith.constant 0 : i32
      %dma_start3A_251 = tpu.memref_slice %arg9[%and3A_166, %dma_start3A_249, %dma_start3A_250] : memref<2x25x128xi32, #tpu.memory_space<vmem>> -> memref<1x25x128xi32, #tpu.memory_space<vmem>>
      %dma_start3A_252 = tpu.memref_squeeze %dma_start3A_251 : memref<1x25x128xi32, #tpu.memory_space<vmem>> -> memref<25x128xi32, #tpu.memory_space<vmem>>
      %dma_start3A_253 = arith.constant 0 : i32
      %dma_start3A_254 = tpu.memref_slice %arg5[%mul3A_248, %dma_start3A_253] : memref<131072x128xi32, #tpu.memory_space<hbm>> -> memref<25x128xi32, #tpu.memory_space<hbm>>
      %dma_start3A_255 = tpu.memref_slice %arg11[%and3A_166] : memref<2x!tpu.dma_semaphore, #tpu.memory_space<semaphore_mem>> -> memref<1x!tpu.dma_semaphore, #tpu.memory_space<semaphore_mem>>
      %dma_start3A_256 = tpu.memref_squeeze %dma_start3A_255 : memref<1x!tpu.dma_semaphore, #tpu.memory_space<semaphore_mem>> -> memref<!tpu.dma_semaphore, #tpu.memory_space<semaphore_mem>>
      %dma_start3A_257 = arith.constant 0 : i32
      %dma_start3A_258 = tpu.memref_slice %arg5[%mul3A_248, %dma_start3A_257] : memref<131072x128xi32, #tpu.memory_space<hbm>> -> memref<25x128xi32, #tpu.memory_space<hbm>>
      %dma_start3A_259 = arith.constant 0 : i32
      %dma_start3A_260 = arith.constant 0 : i32
      %dma_start3A_261 = tpu.memref_slice %arg9[%and3A_166, %dma_start3A_259, %dma_start3A_260] : memref<2x25x128xi32, #tpu.memory_space<vmem>> -> memref<1x25x128xi32, #tpu.memory_space<vmem>>
      %dma_start3A_262 = tpu.memref_squeeze %dma_start3A_261 : memref<1x25x128xi32, #tpu.memory_space<vmem>> -> memref<25x128xi32, #tpu.memory_space<vmem>>
      tpu.enqueue_dma source(%dma_start3A_262 : memref<25x128xi32, #tpu.memory_space<vmem>>) target(%dma_start3A_258 : memref<25x128xi32, #tpu.memory_space<hbm>>) target_semaphore(%dma_start3A_256 : memref<!tpu.dma_semaphore, #tpu.memory_space<semaphore_mem>>)
    }
    %scan3A_91 = arith.constant 128 : i32
    %dma_wait3A = arith.constant 127 : i32
    %dma_wait3A_92 = arith.constant 0 : i32
    %dma_wait3A_93 = arith.constant 0 : i32
    %dma_wait3A_94 = arith.constant 0 : i32
    %dma_wait3A_95 = arith.constant 0 : i32
    %dma_wait3A_96 = tpu.memref_slice %arg7[%dma_wait3A_92, %dma_wait3A_94, %dma_wait3A_95] : memref<2x50x128xi8, #tpu.memory_space<vmem>> -> memref<1x50x128xi8, #tpu.memory_space<vmem>>
    %dma_wait3A_97 = tpu.memref_squeeze %dma_wait3A_96 : memref<1x50x128xi8, #tpu.memory_space<vmem>> -> memref<50x128xi8, #tpu.memory_space<vmem>>
    %dma_wait3A_98 = arith.constant 0 : i32
    %dma_wait3A_99 = tpu.memref_slice %arg6[%dma_wait3A, %dma_wait3A_98] : memref<128x50xi32, #tpu.memory_space<vmem>> -> memref<1x50xi32, #tpu.memory_space<vmem>>
    %dma_wait3A_100 = tpu.memref_squeeze %dma_wait3A_99 : memref<1x50xi32, #tpu.memory_space<vmem>> -> memref<50xi32, #tpu.memory_space<vmem>>
    %dma_wait3A_101 = arith.constant 0 : i32
    %dma_wait3A_102 = arith.constant 0 : i32
    %dma_wait3A_103 = tpu.memref_slice %arg2[%dma_wait3A_101, %dma_wait3A_102] : memref<100000x128xi8, #tpu.memory_space<hbm>> -> memref<100000x128xi8, #tpu.memory_space<hbm>>
    %dma_wait3A_104 = tpu.memref_slice %arg10[%dma_wait3A_93] : memref<2x!tpu.dma_semaphore, #tpu.memory_space<semaphore_mem>> -> memref<1x!tpu.dma_semaphore, #tpu.memory_space<semaphore_mem>>
    %dma_wait3A_105 = tpu.memref_squeeze %dma_wait3A_104 : memref<1x!tpu.dma_semaphore, #tpu.memory_space<semaphore_mem>> -> memref<!tpu.dma_semaphore, #tpu.memory_space<semaphore_mem>>
    tpu.wait_indirect_dma semaphore(%dma_wait3A_105 : memref<!tpu.dma_semaphore, #tpu.memory_space<semaphore_mem>>) src(%dma_wait3A_103 : memref<100000x128xi8, #tpu.memory_space<hbm>>) dst(%dma_wait3A_97 : memref<50x128xi8, #tpu.memory_space<vmem>>)
    %dma_wait3A_106 = arith.constant 127 : i32
    %dma_wait3A_107 = arith.constant 0 : i32
    %dma_wait3A_108 = arith.constant 0 : i32
    %dma_wait3A_109 = arith.constant 0 : i32
    %dma_wait3A_110 = arith.constant 0 : i32
    %dma_wait3A_111 = tpu.memref_slice %arg8[%dma_wait3A_107, %dma_wait3A_109, %dma_wait3A_110] : memref<2x50x4xi32, #tpu.memory_space<vmem>> -> memref<1x50x4xi32, #tpu.memory_space<vmem>>
    %dma_wait3A_112 = tpu.memref_squeeze %dma_wait3A_111 : memref<1x50x4xi32, #tpu.memory_space<vmem>> -> memref<50x4xi32, #tpu.memory_space<vmem>>
    %dma_wait3A_113 = arith.constant 0 : i32
    %dma_wait3A_114 = tpu.memref_slice %arg6[%dma_wait3A_106, %dma_wait3A_113] : memref<128x50xi32, #tpu.memory_space<vmem>> -> memref<1x50xi32, #tpu.memory_space<vmem>>
    %dma_wait3A_115 = tpu.memref_squeeze %dma_wait3A_114 : memref<1x50xi32, #tpu.memory_space<vmem>> -> memref<50xi32, #tpu.memory_space<vmem>>
    %dma_wait3A_116 = arith.constant 0 : i32
    %dma_wait3A_117 = arith.constant 0 : i32
    %dma_wait3A_118 = tpu.memref_slice %arg3[%dma_wait3A_116, %dma_wait3A_117] : memref<100000x4xi32, #tpu.memory_space<hbm>> -> memref<100000x4xi32, #tpu.memory_space<hbm>>
    %dma_wait3A_119 = tpu.memref_slice %arg10[%dma_wait3A_108] : memref<2x!tpu.dma_semaphore, #tpu.memory_space<semaphore_mem>> -> memref<1x!tpu.dma_semaphore, #tpu.memory_space<semaphore_mem>>
    %dma_wait3A_120 = tpu.memref_squeeze %dma_wait3A_119 : memref<1x!tpu.dma_semaphore, #tpu.memory_space<semaphore_mem>> -> memref<!tpu.dma_semaphore, #tpu.memory_space<semaphore_mem>>
    tpu.wait_indirect_dma semaphore(%dma_wait3A_120 : memref<!tpu.dma_semaphore, #tpu.memory_space<semaphore_mem>>) src(%dma_wait3A_118 : memref<100000x4xi32, #tpu.memory_space<hbm>>) dst(%dma_wait3A_112 : memref<50x4xi32, #tpu.memory_space<vmem>>)
    %mul3A_121 = arith.constant 128 : i32
    %mul3A_122 = arith.muli %add3A, %mul3A_121 : i32
    %add3A_123 = arith.constant 126 : i32
    %add3A_124 = arith.addi %mul3A_122, %add3A_123 : i32
    %mul3A_125 = arith.constant 32 : i32
    %mul3A_126 = arith.muli %add3A_124, %mul3A_125 : i32
    %dma_wait3A_127 = arith.constant 0 : i32
    %dma_wait3A_128 = arith.constant 0 : i32
    %dma_wait3A_129 = arith.constant 0 : i32
    %dma_wait3A_130 = arith.constant 0 : i32
    %dma_wait3A_131 = tpu.memref_slice %arg9[%dma_wait3A_127, %dma_wait3A_129, %dma_wait3A_130] : memref<2x25x128xi32, #tpu.memory_space<vmem>> -> memref<1x25x128xi32, #tpu.memory_space<vmem>>
    %dma_wait3A_132 = tpu.memref_squeeze %dma_wait3A_131 : memref<1x25x128xi32, #tpu.memory_space<vmem>> -> memref<25x128xi32, #tpu.memory_space<vmem>>
    %dma_wait3A_133 = arith.constant 0 : i32
    %dma_wait3A_134 = tpu.memref_slice %arg5[%mul3A_126, %dma_wait3A_133] : memref<131072x128xi32, #tpu.memory_space<hbm>> -> memref<25x128xi32, #tpu.memory_space<hbm>>
    %dma_wait3A_135 = tpu.memref_slice %arg11[%dma_wait3A_128] : memref<2x!tpu.dma_semaphore, #tpu.memory_space<semaphore_mem>> -> memref<1x!tpu.dma_semaphore, #tpu.memory_space<semaphore_mem>>
    %dma_wait3A_136 = tpu.memref_squeeze %dma_wait3A_135 : memref<1x!tpu.dma_semaphore, #tpu.memory_space<semaphore_mem>> -> memref<!tpu.dma_semaphore, #tpu.memory_space<semaphore_mem>>
    %dma_wait3A_137 = arith.constant 0 : i32
    %dma_wait3A_138 = tpu.memref_slice %arg5[%mul3A_126, %dma_wait3A_137] : memref<131072x128xi32, #tpu.memory_space<hbm>> -> memref<25x128xi32, #tpu.memory_space<hbm>>
    %dma_wait3A_139 = arith.constant 0 : i32
    %dma_wait3A_140 = arith.constant 0 : i32
    %dma_wait3A_141 = tpu.memref_slice %arg9[%dma_wait3A_127, %dma_wait3A_139, %dma_wait3A_140] : memref<2x25x128xi32, #tpu.memory_space<vmem>> -> memref<1x25x128xi32, #tpu.memory_space<vmem>>
    %dma_wait3A_142 = tpu.memref_squeeze %dma_wait3A_141 : memref<1x25x128xi32, #tpu.memory_space<vmem>> -> memref<25x128xi32, #tpu.memory_space<vmem>>
    tpu.wait_dma2 semaphore(%dma_wait3A_136 : memref<!tpu.dma_semaphore, #tpu.memory_space<semaphore_mem>>) src(%dma_wait3A_142 : memref<25x128xi32, #tpu.memory_space<vmem>>) dst(%dma_wait3A_138 : memref<25x128xi32, #tpu.memory_space<hbm>>)
    %mul3A_143 = arith.constant 128 : i32
    %mul3A_144 = arith.muli %add3A, %mul3A_143 : i32
    %add3A_145 = arith.constant 127 : i32
    %add3A_146 = arith.addi %mul3A_144, %add3A_145 : i32
    %mul3A_147 = arith.constant 32 : i32
    %mul3A_148 = arith.muli %add3A_146, %mul3A_147 : i32
    %dma_wait3A_149 = arith.constant 1 : i32
    %dma_wait3A_150 = arith.constant 1 : i32
    %dma_wait3A_151 = arith.constant 0 : i32
    %dma_wait3A_152 = arith.constant 0 : i32
    %dma_wait3A_153 = tpu.memref_slice %arg9[%dma_wait3A_149, %dma_wait3A_151, %dma_wait3A_152] : memref<2x25x128xi32, #tpu.memory_space<vmem>> -> memref<1x25x128xi32, #tpu.memory_space<vmem>>
    %dma_wait3A_154 = tpu.memref_squeeze %dma_wait3A_153 : memref<1x25x128xi32, #tpu.memory_space<vmem>> -> memref<25x128xi32, #tpu.memory_space<vmem>>
    %dma_wait3A_155 = arith.constant 0 : i32
    %dma_wait3A_156 = tpu.memref_slice %arg5[%mul3A_148, %dma_wait3A_155] : memref<131072x128xi32, #tpu.memory_space<hbm>> -> memref<25x128xi32, #tpu.memory_space<hbm>>
    %dma_wait3A_157 = tpu.memref_slice %arg11[%dma_wait3A_150] : memref<2x!tpu.dma_semaphore, #tpu.memory_space<semaphore_mem>> -> memref<1x!tpu.dma_semaphore, #tpu.memory_space<semaphore_mem>>
    %dma_wait3A_158 = tpu.memref_squeeze %dma_wait3A_157 : memref<1x!tpu.dma_semaphore, #tpu.memory_space<semaphore_mem>> -> memref<!tpu.dma_semaphore, #tpu.memory_space<semaphore_mem>>
    %dma_wait3A_159 = arith.constant 0 : i32
    %dma_wait3A_160 = tpu.memref_slice %arg5[%mul3A_148, %dma_wait3A_159] : memref<131072x128xi32, #tpu.memory_space<hbm>> -> memref<25x128xi32, #tpu.memory_space<hbm>>
    %dma_wait3A_161 = arith.constant 0 : i32
    %dma_wait3A_162 = arith.constant 0 : i32
    %dma_wait3A_163 = tpu.memref_slice %arg9[%dma_wait3A_149, %dma_wait3A_161, %dma_wait3A_162] : memref<2x25x128xi32, #tpu.memory_space<vmem>> -> memref<1x25x128xi32, #tpu.memory_space<vmem>>
    %dma_wait3A_164 = tpu.memref_squeeze %dma_wait3A_163 : memref<1x25x128xi32, #tpu.memory_space<vmem>> -> memref<25x128xi32, #tpu.memory_space<vmem>>
    tpu.wait_dma2 semaphore(%dma_wait3A_158 : memref<!tpu.dma_semaphore, #tpu.memory_space<semaphore_mem>>) src(%dma_wait3A_164 : memref<25x128xi32, #tpu.memory_space<vmem>>) dst(%dma_wait3A_160 : memref<25x128xi32, #tpu.memory_space<hbm>>)
    return
  }
}

</mosaic_0001>

<sc_bundles>
// kernel: _run.3.cloned.1.call-start
scs
__scs_entry_jumppad:
0x0: {  	(pc) =	sbr.rel $0x88, $3  }
0x1: {  	(tag) =	ssettag $0x0;
	lr =	simm.s32 $0x1  }
0x2: {  	[smem:$0x3F9E] =	sst lr;
	_ =	strace $0xD0000000  }
0x3: {  	_ = 	snop  }
0x4: {  	_ = 	snop  }
0x5: {  	_ = 	snop  }
0x6: {  	_ = 	snop  }
0x7: {  	_ = 	snop  }
__scs_overlays_trampoline_lowered:
0x8: {  	[smem:$0x3FAD] =	sst s0  }
0x9: {  	[smem:$0x3FAE] =	sst s1  }
0xa: {  	[smem:$0x3FAF] =	sst s2  }
0xb: {  	[smem:$0x3FB0] =	sst s3  }
0xc: {  	[smem:$0x3FB1] =	sst s4  }
0xd: {  	[smem:$0x3FB2] =	sst s5  }
0xe: {  	[smem:$0x3FB3] =	sst s6  }
0xf: {  	[smem:$0x3FB4] =	sst s7  }
0x10: {  	[smem:$0x3FB5] =	sst s8  }
0x11: {  	[smem:$0x3FB6] =	sst s9;
	s0 =	simm.s32 @!p0 $0x0  }
0x12: {  	s1 =	sld [smem:$0x3F9C];
	s0 =	simm.s32 @p0 $0x1  }
0x13: {  	[smem:$0x3FB7] =	sst s0;
	s0 =	simm.s32 @!p1 $0x0  }
0x14: {  	s2 =	sld [smem:$0x3F9B];
	s0 =	simm.s32 @p1 $0x1  }
0x15: {  	[smem:$0x3FB8] =	sst s0;
	s0 =	simm.s32 @!p2 $0x0  }
0x16: {  	s3 =	sld [smem:$0x3FDB];
	s0 =	simm.s32 @p2 $0x1  }
0x17: {  	s4 =	simm.s32 $0x1BF5;
	[smem:$0x3FBA] =	sst s0  }
0x18: {  	s0 =	sld [smem:$0x3F9D];
	_ =	swait.ge [sflag:s4], $0x0  }
0x19: {  	s7 =	sld [smem:$0x3F9E]  }
0x1a: {  	s8 =	sadd.s32 $0xFFFFE003, lr  }
0x1b: {  	s9 =	sadd.s32 $0xFFFFFEF7, lr;
	s5 =	simm.s32 $0xFFFFFFFF;
	p2 =	slt.u32 s8, $0xFFFFF086  }
0x1c: {  	p1 =	slt.u32 s9, $0xF7A;
	s5 =	simm.s32 @!p2 $0x0  }
0x1d: {  	s5 =	simm.s32 @p1 $0x1;
	p0 =	seq.s32 s7, s2  }
0x1e: {  	s7 =	smul.u32 @!p0 $0xF7A, s2;
	p2 =	seq.s32 @!p0 s5, $0x0  }
0x1f: {  	s9 =	smul.u32 $0xF7A, s1;
	s8 =	simm.s32 @!p0 $0x1BF5;
	p2 =	por !p2, p0  }
0x20: {  	[sflag:s8] =	ssyncset.s32 @!p0 $0xFFFFF086;
	s6 =	sadd.s32 @!p0 s3, s7;
	s7 =	simm.s32 @!p0 $0x108  }
0x21: {  	s3 =	sadd.s32 s3, s9;
	s6 =	sadd.s32 @!p0 $0x88, s6;
	s7 =	simm.s32 @p2 $0x1082  }
0x22: {  	[simem:s7], [sflag:s8] =	dma.local @!p0 [hbm:s6], $0xF7A  }
0x23: {  	s9 =	sor.u32 $0xD0000000, s2;
	s6 =	simm.s32 $0x108;
	_ =	swait.ge @!p0 [sflag:s8], $0x0  }
0x24: {  	s3 =	sadd.s32 $0x88, s3;
	s6 =	simm.s32 @!p1 $0x1082;
	[sflag:s4] =	ssyncset.s32 $0xFFFFF086  }
0x25: {  	[simem:s6], [sflag:s4] =	dma.local [hbm:s3], $0xF7A  }
0x26: {  	[smem:$0x3F9E] =	sst s1;
	(tag) =	ssettag s2;
	_ =	strace s9  }
0x27: {  	s1 =	sld [smem:$0x3FAE]  }
0x28: {  	s2 =	sld [smem:$0x3FAF]  }
0x29: {  	s4 =	sld [smem:$0x3FB1]  }
0x2a: {  	p0 =	seq.s32 s5, $0x0;
	s5 =	sld [smem:$0x3FB2]  }
0x2b: {  	s6 =	sld [smem:$0x3FB3]  }
0x2c: {  	s7 =	sld [smem:$0x3FB4]  }
0x2d: {  	s3 =	simm.s32 $0x108;
	s8 =	sld [smem:$0x3FB5]  }
0x2e: {  	s3 =	simm.s32 @!p0 $0x1082;
	s9 =	sld [smem:$0x3FB6]  }
0x2f: {  	lr =	sadd.s32 s0, s3;
	s0 =	sld [smem:$0x3FAD]  }
0x30: {  	s3 =	sld [smem:$0x3FB0]  }
0x31: {  	[smem:$0x3FB9] =	sst s10  }
0x32: {  	s10 =	sld [smem:$0x3FB7];
	_ =	sdelay $0x3  }
0x33: {  	p0 =	seq.s32 s10, $0x1;
	s10 =	sld [smem:$0x3FB9];
	_ =	sdelay $0x3  }
0x34: {  	[smem:$0x3FB9] =	sst s10  }
0x35: {  	s10 =	sld [smem:$0x3FB8];
	_ =	sdelay $0x3  }
0x36: {  	p1 =	seq.s32 s10, $0x1;
	s10 =	sld [smem:$0x3FB9];
	_ =	sdelay $0x3  }
0x37: {  	[smem:$0x3FB9] =	sst s10  }
0x38: {  	s10 =	sld [smem:$0x3FBA]  }
0x39: {  	_ = 	snop;
	(pc) =	sbr.ind lr, $3  }
0x3a: {  	_ = 	snop  }
0x3b: {  	_ = 	snop  }
0x3c: {  	p2 =	seq.s32 s10, $0x1;
	s10 =	sld [smem:$0x3FB9]  }
0x3d: {  	_ =	shalt  }
0x3e: {  	_ =	shalt  }
0x3f: {  	_ =	shalt  }
0x40: {  	_ =	shalt  }
0x41: {  	_ =	shalt  }
0x42: {  	_ =	shalt  }
0x43: {  	_ =	shalt  }
0x44: {  	_ =	shalt  }
0x45: {  	_ =	shalt  }
0x46: {  	_ =	shalt  }
0x47: {  	_ =	shalt  }
0x48: {  	_ =	shalt  }
0x49: {  	_ =	shalt  }
0x4a: {  	_ =	shalt  }
0x4b: {  	_ =	shalt  }
0x4c: {  	_ =	shalt  }
0x4d: {  	_ =	shalt  }
0x4e: {  	_ =	shalt  }
0x4f: {  	_ =	shalt  }
0x50: {  	_ =	shalt  }
0x51: {  	_ =	shalt  }
0x52: {  	_ =	shalt  }
0x53: {  	_ =	shalt  }
0x54: {  	_ =	shalt  }
0x55: {  	_ =	shalt  }
0x56: {  	_ =	shalt  }
0x57: {  	_ =	shalt  }
0x58: {  	_ =	shalt  }
0x59: {  	_ =	shalt  }
0x5a: {  	_ =	shalt  }
0x5b: {  	_ =	shalt  }
0x5c: {  	_ =	shalt  }
0x5d: {  	_ =	shalt  }
0x5e: {  	_ =	shalt  }
0x5f: {  	_ =	shalt  }
0x60: {  	_ =	shalt  }
0x61: {  	_ =	shalt  }
0x62: {  	_ =	shalt  }
0x63: {  	_ =	shalt  }
0x64: {  	_ =	shalt  }
0x65: {  	_ =	shalt  }
0x66: {  	_ =	shalt  }
0x67: {  	_ =	shalt  }
0x68: {  	_ =	shalt  }
0x69: {  	_ =	shalt  }
0x6a: {  	_ =	shalt  }
0x6b: {  	_ =	shalt  }
0x6c: {  	_ =	shalt  }
0x6d: {  	_ =	shalt  }
0x6e: {  	_ =	shalt  }
0x6f: {  	_ =	shalt  }
0x70: {  	_ =	shalt  }
0x71: {  	_ =	shalt  }
0x72: {  	_ =	shalt  }
0x73: {  	_ =	shalt  }
0x74: {  	_ =	shalt  }
0x75: {  	_ =	shalt  }
0x76: {  	_ =	shalt  }
0x77: {  	_ =	shalt  }
0x78: {  	_ =	shalt  }
0x79: {  	_ =	shalt  }
0x7a: {  	_ =	shalt  }
0x7b: {  	_ =	shalt  }
0x7c: {  	_ =	shalt  }
0x7d: {  	_ =	shalt  }
0x7e: {  	_ =	shalt  }
0x7f: {  	_ =	shalt  }
0x80: {  	_ =	shalt  }
0x81: {  	_ =	shalt  }
0x82: {  	_ =	shalt  }
0x83: {  	_ =	shalt  }
0x84: {  	_ =	shalt  }
0x85: {  	_ =	shalt  }
0x86: {  	_ =	shalt  }
0x87: {  	_ =	shalt  }
.Lfunc_end0:
.L_simem_size_0:
called_computation_lowered:
.L_overlay_start_0:
0x88: {  	s2 =	sld [smem:$0x3FD9]  }
0x89: {  	s3 =	sld [smem:$0x3FFE];
	_ =	sdelay $0x1  }
0x8a: {  	s1 =	srdreg.scid  }
0x8b: {  	s0 =	sand.u32 $0x1, s1  }
0x8c: {  	s17 =	sshll.u32 s0, $0xA;
	s2 =	sadd.s32 s3, s2  }
0x8d: {  	s2 =	sadd.s32 s2, s17  }
0x8e: {  	[smem:$0x3FC5] =	sst s2  }
0x8f: {  	_ = 	snop  }
0x90: {  	s2 =	sld [smem:$0x3FD0];
	(tm) =	ssettm $0x1  }
0x91: {  	s18 =	sld [smem:$0x3FFB];
	_ =	sdelay $0x3  }
0x92: {  	_ =	strace s18  }
0x93: {  	s3 =	sld [smem:$0x3FFC];
	_ =	sdelay $0x3  }
0x94: {  	_ =	strace s3  }
0x95: {  	s3 =	sld [smem:$0x3FFD];
	_ =	sdelay $0x3  }
0x96: {  	_ =	strace s3  }
0x97: {  	_ =	strace $0x8FFFFFFF  }
0x98: {  	s19 =	sld [smem:$0x3FDB];
	_ =	sdelay $0x1  }
0x99: {  	s4 =	simm.s32 $_scs_section_size  }
0x9a: {  	s5 =	simm.s32 $_size__tile_overlayer_lowered;
	s6 =	simm.s32 $_tile_overlayer_lowered  }
0x9b: {  	s22 =	simm.s32 $0x1BFF;
	s21 =	sshll.u32 s6, $0x1;
	s3 =	sadd.s32 s4, s19  }
0x9c: {  	s7 =	simm.s32 $0x0;
	s20 =	sshll.u32 s5, $0x1;
	s5 =	sadd.s32 s21, s3  }
0x9d: {  	[timem:s7], [sflag:s22] =	dma.local [hbm:s5], s20  }
0x9e: {  	_ =	swait.ge [sflag:s22], s20  }
0x9f: {  	s4 =	ssub.s32 $0x0, s20;
	[sflag:s22] =	ssyncset.done $0x0  }
0xa0: {  	[sflag:s22] =	ssyncadd.s32 s4;
	_ =	sdelay $0x1  }
0xa1: {  	s23 =	simm.s32 $0x1B8B  }
0xa2: {  	_ =	swait.ge [sflag:s23], $0x1  }
0xa3: {  	[sflag:s23] =	ssyncset.done $0x0  }
0xa4: {  	s25 =	simm.s32 $0x1B8E;
	s24 =	sld [smem:$0x3FFE];
	[sflag:s23] =	ssyncadd.s32 $0xFFFFFFFF  }
0xa5: {  	s26 =	simm.s32 $execute0_lowered;
	[smem:$0x3FD2] =	sst s25  }
0xa6: {  	s5 =	sshll.u32 s26, $0x1;
	_ =	strace $0x80000046;
	[dreg:$0x1] =	wrdreg $0xFFFFFFFF  }
0xa7: {  	s28 =	simm.s32 $_size_execute0_lowered;
	s3 =	sadd.s32 s3, s5;
	[dreg:$0x0] =	wrdreg $0x0  }
0xa8: {  	s5 =	sshll.u32 s28, $0x1;
	[dreg:$0x2] =	wrdreg s3  }
0xa9: {  	[dreg:$0x3] =	wrdreg s5  }
0xaa: {  	[dreg:$0x4] =	wrdreg $0xC0  }
0xab: {  	_ =	task [dreg:s7], $0x5FFFF  }
0xac: {  	[dreg:$0x1] =	wrdreg $0xFFFFFFFF  }
0xad: {  	[dreg:$0x0] =	wrdreg $0x60  }
0xae: {  	[dreg:$0x2] =	wrdreg s24  }
0xaf: {  	[dreg:$0x3] =	wrdreg s2  }
0xb0: {  	[dreg:$0x4] =	wrdreg $0x9  }
0xb1: {  	_ =	task.clear_ibuf [dreg:s7], $0x5FFFF;
	_ =	strace $0x90000046  }
0xb2: {  	s29 =	simm.s32 $0x9;
	_ =	strace $0x80000048  }
0xb3: {  	_ =	swait.ge [sflag:s29], $0x1  }
0xb4: {  	[sflag:s29] =	ssyncadd.s32 $0xFFFFFFFF  }
0xb5: {  	_ =	strace $0x90000048  }
0xb6: {  	_ =	sfence  }
0xb7: {  	s30 =	sld [smem:$0x0];
	_ =	sdelay $0x2  }
0xb8: {  	s31 =	sshll.u32 s1, $0xD;
	s1 =	sshrl.u32 s1, $0x2  }
0xb9: {  	s3 =	sand.u32 $0x4000, s31;
	s1 =	sadd.s32 s1, s30  }
0xba: {  	s0 =	sor.u32 s3, s0;
	s1 =	sshll.u32 s1, $0x11  }
0xbb: {  	s0 =	sor.u32 s1, s0  }
0xbc: {  	s0 =	sadd.s32 $0x8F2B, s0  }
0xbd: {  	[sflag:s0] =	ssyncadd.remote.s32 $0x1  }
0xbe: {  	_ =	sfence.sel $0xFFFF  }
0xbf: {  	[dreg:$0x0] =	wrdreg $0xFFFFFFFF;
	(pc) =	sbr.abs _section_cstart, $3  }
0xc0: {  	[dreg:$0x1] =	wrdreg $0xFFFFFFFF  }
0xc1: {  	_ =	task.clear_ibuf [dreg:s7], $0x2FFFF;
	_ =	strace $0x9FFFFFFF  }
0xc2: {  	(tm) =	ssettm $0x7FFFFFFF  }
0xc3: {  	_ =	shalt  }
tec
execute0_lowered:
.L_overlay_start_1:
0x0: {  	(tag) =	ssettag $0x1  }
0x1: {  	s0 =	rddreg [dreg:$0x0]  }
0x2: {  	s6 =	rddreg [dreg:$0x1]  }
0x3: {  	s3 =	srdreg.scid;
	s1 =	stileid.u32;
	s2 =	simm.s32 $0x0  }
0x4: {  	s9 =	simm.s32 $0x5;
	s10 =	simm.s32 $0x32;
	s11 =	simm.s32 $0x1C00  }
0x5: {  	s12 =	simm.s32 $0x2880;
	s13 =	simm.s32 $0x2BA0;
	s14 =	simm.s32 $0x3820  }
0x6: {  	s15 =	simm.s32 $0x1;
	s16 =	simm.s32 $0x3;
	s17 =	simm.s32 $0x4  }
0x7: {  	s18 =	simm.s32 $0x0;
	s5 =	sand.u32 $0x1, s3;
	s30 =	sshll.u32 s1, $0x1  }
0x8: {  	[smem:$0x7FF] =	sst s2;
	s3 =	sadd.s32 $0x1600, s0;
	s7 =	sor.u32 s5, s30  }
0x9: {  	v1 =	vlaneseq.u32;
	s4 =	sadd.s32 $0x188000, s0;
	s5 =	ssub.s32 $0x2, s5;
	s8 =	smul.u32 $0x380, s7  }
0xa: {  	v0 =	vmul.u32 $0x2, v1;
	v1 =	vshrl.u32 v1, $0x3;
	_ =	strace $0x80000047;
	s31 =	sshrl.u32 s5, $0x1;
	s7 =	sshll.u32 s7, $0x10  }
0xb: {  	v3 =	vor.u32 $0x2, v1;
	s6 =	sadd.s32 s6, s7;
	s0 =	sadd.s32 s8, s0;
	s8 =	ssub.s32 s5, s31  }
0xc: {  	v2 =	vor.u32 $0x1, v0;
	v4 =	vor.u32 $0x20, v0;
	v5 =	vor.u32 $0x21, v0;
	s7 =	sadd.s32 $0x200, s6;
	s5 =	sadd.s32 $0x63200, s0;
	s8 =	smax.u32 s8, $0x1  }
.LBB2_1:
0xd: {  	[tilespmem:s2], [sflag:$0x5] =	stream.linear.gather [hbm4b:s5+s2], $0x1C00, $0x38;
	[tilespmem:$0x44A0] =	vst v63  }
0xe: {  	_ =	swait.ge [sflag:s9], $0x1C00  }
0xf: {  	[sflag:s9] =	ssyncset.done $0x0  }
0x10: {  	[sflag:s9] =	ssyncadd.s32 $0xFFFFE400  }
0x11: {  	[tilespmem:s11], [sflag:$0x1] =	stream.indirect.gather [hbm4b:s3+s10], $0x20, s2, s10, $0xb8;
	[tilespmem:$0x44A0] =	vst v63  }
0x12: {  	_ = 	snop  }
0x13: {  	[tilespmem:s12], [sflag:$0x1] =	stream.indirect.gather [hbm4b:s4+s10], $0x4, s2, s10, $0xb8;
	[tilespmem:$0x44A0] =	vst v63  }
0x14: {  	_ = 	snop  }
0x15: {  	[hbm4b:s6+s2] =	stream.linear.scatter [tilespmem:s13], [sflag:$0x3], $0xC80, $0x38;
	[tilespmem:$0x44A0] =	vst v63  }
0x16: {  	p0 =	por $0x0, $0x0;
	s19 =	simm.s32 $0x0  }
0x17: {  	[hbm4b:s7+s2] =	stream.linear.scatter [tilespmem:s14], [sflag:$0x4], $0xC80, $0x38;
	[tilespmem:$0x44A0] =	vst v63  }
.LBB2_2:
0x18: {  	s22 =	sand.u32 $0x1, s19  }
0x19: {  	s23 =	smov.u32 s19;
	s19 =	sadd.s32 $0x1, s19;
	s0 =	sxor.u32 $0x1, s22  }
0x1a: {  	s21 =	smin.u32 s19, $0x7F;
	s20 =	smul.u32 $0x1900, s0  }
0x1b: {  	s21 =	smul.u32 $0xE0, s21  }
0x1c: {  	s24 =	sadd.s32 $0x1, s0;
	s0 =	smul.u32 $0x640, s0  }
0x1d: {  	s20 =	sshrl.u32 s20, $0x2  }
0x1e: {  	s21 =	sshrl.u32 s21, $0x2;
	s0 =	sshrl.u32 s0, $0x2;
	s20 =	sadd.s32 $0x1C00, s20  }
0x1f: {  	[tilespmem:s20], [sflag:s24] =	stream.indirect.gather [hbm4b:s3+s10], $0x20, s21, s10, $0xb8;
	[tilespmem:$0x44A0] =	vst v63  }
0x20: {  	s25 =	sadd.s32 $0x1, s22;
	s0 =	sadd.s32 $0x2880, s0  }
0x21: {  	[tilespmem:s0], [sflag:s24] =	stream.indirect.gather [hbm4b:s4+s10], $0x4, s21, s10, $0xb8;
	[tilespmem:$0x44A0] =	vst v63  }
0x22: {  	_ =	swait.ge [sflag:s25], $0x640  }
0x23: {  	[sflag:s25] =	ssyncset.done $0x0  }
0x24: {  	[sflag:s25] =	ssyncadd.s32 $0xFFFFF9C0  }
0x25: {  	s20 =	simm.s32 $0x1;
	_ =	swait.ge [sflag:s25], $0xC8  }
0x26: {  	s31 =	simm.s32 $0x0;
	s20 =	simm.s32 @!p0 $0x0;
	[sflag:s25] =	ssyncset.done $0x0  }
0x27: {  	s26 =	smul.u32 $0x1900, s20;
	s20 =	sadd.s32 $0x3, s22;
	[sflag:s25] =	ssyncadd.s32 $0xFFFFFF38  }
0x28: {  	v6 =	vor.u32 s31, v1;
	_ =	swait.ge [sflag:s20], $0xC80  }
0x29: {  	s21 =	sshrl.u32 s26, $0x2;
	s25 =	smul.u32 $0x640, s22;
	[sflag:s20] =	ssyncset.done $0x0  }
0x2a: {  	s24 =	sadd.s32 $0x1C10, s21;
	[sflag:s20] =	ssyncadd.s32 $0xFFFFF380  }
0x2b: {  	s26 =	sshrl.u32 s25, $0x2;
	v7 =	vld [tilespmem:s24+$0xFFFFFFF0]  }
0x2c: {  	s21 =	sadd.s32 $0x2880, s26  }
0x2d: {  	v6 =	vld.idx.msk [tilespmem:v6+s21+$0x0], $0xffff;
	_ =	sdelay $0x2  }
0x2e: {  	v8 =	vunpack.i.u.s8.s16 v7;
	v7 =	vunpack.i.l.s8.s16 v7  }
0x2f: {  	v9 =	vunpack.c.l.s16.s32 v7;
	v10 =	vunpack.c.u.s16.s32 v8  }
0x30: {  	v11 =	vunpack.c.u.hf16.f32 v6;
	v8 =	vunpack.c.l.s16.s32 v8;
	v7 =	vunpack.c.u.s16.s32 v7  }
0x31: {  	v6 =	vunpack.c.l.hf16.f32 v6;
	v9 =	vcvt.s32.f32 v9;
	v10 =	vcvt.s32.f32 v10  }
0x32: {  	v7 =	vcvt.s32.f32 v7;
	v8 =	vcvt.s32.f32 v8  }
0x33: {  	v9 =	vmul.f32 v9, v6;
	v10 =	vmul.f32 v10, v11  }
0x34: {  	s25 =	simm.s32 $0x0;
	s26 =	simm.s32 $0x0;
	v7 =	vmul.f32 v7, v11;
	v6 =	vmul.f32 v8, v6  }
0x35: {  	s28 =	sand.u32 $0x40, s25;
	s26 =	sand.u32 $0xFFFFFF80, s26;
	v8 =	vcvt.f32.hf16 v9;
	v60 =	vcvt.f32.hf16 v10  }
0x36: {  	s29 =	sor.u32 s28, s26;
	v7 =	vcvt.f32.hf16 v7;
	v6 =	vcvt.f32.hf16 v6  }
0x37: {  	v61 =	vor.u32 s29, v0  }
0x38: {  	s22 =	smul.u32 $0x3200, s22;
	v7 =	vpack.c.b32.b16 v7, v8;
	v6 =	vpack.c.b32.b16 v60, v6;
	v8 =	vor.u32 s29, v2;
	_ =	sdelay $0x1  }
0x39: {  	v62 =	vor.u32 s31, v3;
	s22 =	sshrl.u32 s22, $0x2;
	v63 =	vand.u32 $0xFFFF, v7;
	v12 =	vshll.u32 v6, $0x10  }
0x3a: {  	s22 =	sadd.s32 $0x2BA0, s22;
	v7 =	vshrl.u32 v7, $0x10;
	v6 =	vand.u32 $0xFFFF0000, v6;
	v11 =	vor.u32 v63, v12  }
0x3b: {  	v6 =	vor.u32 v7, v6;
	[tilespmem:v61+s22+$0x0] =	vst.idx.msk $0xffff, v11  }
0x3c: {  	[tilespmem:v8+s22+$0x0] =	vst.idx.msk $0xffff, v6  }
0x3d: {  	s30 =	simm.s32 $0x2;
	s31 =	sshll.u32 s23, $0x9;
	v7 =	vld [tilespmem:s24+$0x0]  }
0x3e: {  	s23 =	sadd.s32 s31, s6;
	s26 =	simm.s32 $0x1;
	s28 =	simm.s32 $0x8;
	v6 =	vld.idx.msk [tilespmem:v62+s21+$0x0], $0xffff  }
.LBB2_3:
0x3f: {  	s24 =	sadd.s32 $0x20, s24  }
0x40: {  	v8 =	vor.u32 s28, v1;
	s25 =	sadd.s32 $0x40, s25;
	s31 =	smov.u32 s30;
	s0 =	sadd.s32 $0x1, s30  }
0x41: {  	p1 =	sne.s32 s30, $0x31;
	_ =	sdelay $0x1  }
0x42: {  	v9 =	vunpack.i.u.s8.s16 v7;
	v7 =	vunpack.i.l.s8.s16 v7  }
0x43: {  	v10 =	vunpack.c.u.s16.s32 v7;
	v11 =	vunpack.c.u.s16.s32 v9;
	v9 =	vunpack.c.l.s16.s32 v9  }
0x44: {  	v7 =	vunpack.c.l.s16.s32 v7;
	v12 =	vunpack.c.l.hf16.f32 v6  }
0x45: {  	v6 =	vunpack.c.u.hf16.f32 v6;
	v10 =	vcvt.s32.f32 v10;
	v9 =	vcvt.s32.f32 v9  }
0x46: {  	v7 =	vcvt.s32.f32 v7;
	v11 =	vcvt.s32.f32 v11  }
0x47: {  	v10 =	vmul.f32 v10, v6;
	v9 =	vmul.f32 v9, v12  }
0x48: {  	v7 =	vmul.f32 v7, v12;
	v6 =	vmul.f32 v11, v6  }
0x49: {  	v10 =	vcvt.f32.hf16 v10;
	v9 =	vcvt.f32.hf16 v9  }
0x4a: {  	v11 =	vor.u32 s29, v4;
	v7 =	vcvt.f32.hf16 v7;
	v6 =	vcvt.f32.hf16 v6;
	_ =	sdelay $0x1  }
0x4b: {  	v7 =	vpack.c.b32.b16 v10, v7;
	v6 =	vpack.c.b32.b16 v6, v9;
	v9 =	vor.u32 s29, v5;
	_ =	sdelay $0x1  }
0x4c: {  	v10 =	vand.u32 $0xFFFF, v7;
	v12 =	vshll.u32 v6, $0x10;
	v7 =	vshrl.u32 v7, $0x10  }
0x4d: {  	v6 =	vand.u32 $0xFFFF0000, v6;
	v10 =	vor.u32 v10, v12  }
0x4e: {  	v6 =	vor.u32 v7, v6;
	[tilespmem:v11+s22+$0x0] =	vst.idx.msk $0xffff, v10  }
0x4f: {  	[tilespmem:v9+s22+$0x0] =	vst.idx.msk $0xffff, v6  }
0x50: {  	v6 =	vld [tilespmem:s24+$0xFFFFFFF0]  }
0x51: {  	v7 =	vld.idx.msk [tilespmem:v8+s21+$0x0], $0xffff;
	_ =	sdelay $0x3  }
0x52: {  	v8 =	vunpack.i.u.s8.s16 v6;
	v6 =	vunpack.i.l.s8.s16 v6  }
0x53: {  	v9 =	vunpack.c.l.s16.s32 v6;
	v10 =	vunpack.c.u.s16.s32 v8;
	v8 =	vunpack.c.l.s16.s32 v8  }
0x54: {  	v6 =	vunpack.c.u.s16.s32 v6;
	v11 =	vunpack.c.u.hf16.f32 v7  }
0x55: {  	v7 =	vunpack.c.l.hf16.f32 v7;
	v9 =	vcvt.s32.f32 v9;
	v10 =	vcvt.s32.f32 v10  }
0x56: {  	v6 =	vcvt.s32.f32 v6;
	v8 =	vcvt.s32.f32 v8  }
0x57: {  	v9 =	vmul.f32 v9, v7;
	v10 =	vmul.f32 v10, v11  }
0x58: {  	s29 =	sshll.u32 s26, $0x6;
	s26 =	smov.u32 s31;
	v6 =	vmul.f32 v6, v11;
	v7 =	vmul.f32 v8, v7  }
0x59: {  	s30 =	sand.u32 $0x40, s25;
	s29 =	sand.u32 $0xFFFFFF80, s29;
	v8 =	vcvt.f32.hf16 v9;
	v9 =	vcvt.f32.hf16 v10  }
0x5a: {  	s29 =	sor.u32 s30, s29;
	v6 =	vcvt.f32.hf16 v6;
	v7 =	vcvt.f32.hf16 v7  }
0x5b: {  	v10 =	vor.u32 s29, v0  }
0x5c: {  	v6 =	vpack.c.b32.b16 v6, v8;
	v7 =	vpack.c.b32.b16 v9, v7;
	v8 =	vor.u32 s29, v2  }
0x5d: {  	v9 =	vor.u32 s28, v3  }
0x5e: {  	v11 =	vand.u32 $0xFFFF, v6;
	v12 =	vshll.u32 v7, $0x10;
	v6 =	vshrl.u32 v6, $0x10  }
.Ltmp0:
0x5f: {  	v7 =	vand.u32 $0xFFFF0000, v7;
	v11 =	vor.u32 v11, v12;
	(pc) =	sbr.rel @p1 .LBB2_3-.Ltmp0, $4  }
0x60: {  	v6 =	vor.u32 v6, v7;
	[tilespmem:v10+s22+$0x0] =	vst.idx.msk $0xffff, v11  }
0x61: {  	[tilespmem:v8+s22+$0x0] =	vst.idx.msk $0xffff, v6  }
0x62: {  	v7 =	vld [tilespmem:s24+$0x0]  }
0x63: {  	s30 =	smov.u32 s0;
	s28 =	sshll.u32 s26, $0x3;
	v6 =	vld.idx.msk [tilespmem:v9+s21+$0x0], $0xffff  }
0x64: {  	_ =	sdelay $0x2  }
0x65: {  	v8 =	vunpack.i.u.s8.s16 v7;
	v7 =	vunpack.i.l.s8.s16 v7  }
0x66: {  	v9 =	vunpack.c.u.s16.s32 v7;
	v10 =	vunpack.c.l.s16.s32 v8  }
0x67: {  	v8 =	vunpack.c.u.s16.s32 v8;
	v7 =	vunpack.c.l.s16.s32 v7;
	v11 =	vunpack.c.l.hf16.f32 v6  }
0x68: {  	v6 =	vunpack.c.u.hf16.f32 v6;
	v9 =	vcvt.s32.f32 v9;
	v10 =	vcvt.s32.f32 v10  }
0x69: {  	v7 =	vcvt.s32.f32 v7;
	v8 =	vcvt.s32.f32 v8  }
0x6a: {  	v9 =	vmul.f32 v9, v6;
	v10 =	vmul.f32 v10, v11  }
0x6b: {  	v7 =	vmul.f32 v7, v11;
	v6 =	vmul.f32 v8, v6  }
0x6c: {  	v37 =	vcvt.f32.hf16 v9;
	v38 =	vcvt.f32.hf16 v10  }
0x6d: {  	v7 =	vcvt.f32.hf16 v7;
	v6 =	vcvt.f32.hf16 v6  }
0x6e: {  	v39 =	vor.u32 s29, v4  }
0x6f: {  	v40 =	vor.u32 s29, v5;
	v7 =	vpack.c.b32.b16 v37, v7;
	v6 =	vpack.c.b32.b16 v6, v38;
	_ =	sdelay $0x1  }
0x70: {  	v41 =	vor.u32 s28, v1;
	v42 =	vand.u32 $0xFFFF, v7;
	v12 =	vshll.u32 v6, $0x10  }
0x71: {  	v7 =	vshrl.u32 v7, $0x10;
	v6 =	vand.u32 $0xFFFF0000, v6;
	v11 =	vor.u32 v42, v12  }
0x72: {  	v6 =	vor.u32 v7, v6;
	[tilespmem:v39+s22+$0x0] =	vst.idx.msk $0xffff, v11  }
0x73: {  	s0 =	sadd.s32 $0x20, s24;
	[tilespmem:v40+s22+$0x0] =	vst.idx.msk $0xffff, v6  }
0x74: {  	v6 =	vld [tilespmem:s0+$0xFFFFFFF0];
	_ =	sdelay $0x1  }
0x75: {  	v7 =	vld.idx.msk [tilespmem:v41+s21+$0x0], $0xffff;
	_ =	sdelay $0x2  }
0x76: {  	v43 =	vunpack.i.u.s8.s16 v6;
	v6 =	vunpack.i.l.s8.s16 v6  }
0x77: {  	v44 =	vunpack.c.l.s16.s32 v6;
	v45 =	vunpack.c.u.s16.s32 v43  }
0x78: {  	v46 =	vunpack.c.u.hf16.f32 v7;
	v8 =	vunpack.c.l.s16.s32 v43;
	v6 =	vunpack.c.u.s16.s32 v6  }
0x79: {  	v7 =	vunpack.c.l.hf16.f32 v7;
	v9 =	vcvt.s32.f32 v44;
	v10 =	vcvt.s32.f32 v45  }
0x7a: {  	v6 =	vcvt.s32.f32 v6;
	v8 =	vcvt.s32.f32 v8  }
0x7b: {  	v9 =	vmul.f32 v9, v7;
	v10 =	vmul.f32 v10, v46  }
0x7c: {  	s30 =	sadd.s32 $0x40, s25;
	s31 =	sshll.u32 s26, $0x6;
	v6 =	vmul.f32 v6, v46;
	v7 =	vmul.f32 v8, v7  }
0x7d: {  	s24 =	sand.u32 $0x40, s30;
	s25 =	sand.u32 $0xFFFFFF80, s31;
	v47 =	vcvt.f32.hf16 v9;
	v48 =	vcvt.f32.hf16 v10  }
0x7e: {  	s24 =	sor.u32 s24, s25;
	v6 =	vcvt.f32.hf16 v6;
	v7 =	vcvt.f32.hf16 v7  }
0x7f: {  	v49 =	vor.u32 s24, v0  }
0x80: {  	v50 =	vor.u32 s24, v2;
	v6 =	vpack.c.b32.b16 v6, v47;
	v7 =	vpack.c.b32.b16 v48, v7;
	_ =	sdelay $0x1  }
0x81: {  	v51 =	vor.u32 s28, v3;
	v52 =	vand.u32 $0xFFFF, v6;
	v53 =	vshll.u32 v7, $0x10  }
0x82: {  	v6 =	vshrl.u32 v6, $0x10;
	v7 =	vand.u32 $0xFFFF0000, v7;
	v11 =	vor.u32 v52, v53  }
0x83: {  	v6 =	vor.u32 v6, v7;
	[tilespmem:v49+s22+$0x0] =	vst.idx.msk $0xffff, v11  }
0x84: {  	[tilespmem:v50+s22+$0x0] =	vst.idx.msk $0xffff, v6  }
0x85: {  	v6 =	vld [tilespmem:s0+$0x0];
	_ =	sdelay $0x1  }
0x86: {  	v7 =	vld.idx.msk [tilespmem:v51+s21+$0x0], $0xffff;
	_ =	sdelay $0x2  }
0x87: {  	v54 =	vunpack.i.u.s8.s16 v6;
	v6 =	vunpack.i.l.s8.s16 v6  }
0x88: {  	v55 =	vunpack.c.u.s16.s32 v6;
	v56 =	vunpack.c.l.s16.s32 v54  }
0x89: {  	v57 =	vunpack.c.l.hf16.f32 v7;
	v8 =	vunpack.c.u.s16.s32 v54;
	v6 =	vunpack.c.l.s16.s32 v6  }
0x8a: {  	v7 =	vunpack.c.u.hf16.f32 v7;
	v9 =	vcvt.s32.f32 v55;
	v10 =	vcvt.s32.f32 v56  }
0x8b: {  	v6 =	vcvt.s32.f32 v6;
	v8 =	vcvt.s32.f32 v8  }
0x8c: {  	v9 =	vmul.f32 v9, v7;
	v10 =	vmul.f32 v10, v57  }
0x8d: {  	v6 =	vmul.f32 v6, v57;
	v7 =	vmul.f32 v8, v7  }
0x8e: {  	v58 =	vcvt.f32.hf16 v9;
	v59 =	vcvt.f32.hf16 v10  }
0x8f: {  	v6 =	vcvt.f32.hf16 v6;
	v7 =	vcvt.f32.hf16 v7  }
0x90: {  	v60 =	vor.u32 s24, v4  }
0x91: {  	v61 =	vor.u32 s24, v5;
	v6 =	vpack.c.b32.b16 v58, v6;
	v7 =	vpack.c.b32.b16 v7, v59  }
0x92: {  	p1 =	sne.s32 s19, $0x80  }
.Ltmp1:
0x93: {  	v62 =	vand.u32 $0xFFFF, v6;
	v63 =	vshll.u32 v7, $0x10;
	(pc) =	sbr.rel @p1 .LBB2_2-.Ltmp1, $4  }
0x94: {  	v6 =	vshrl.u32 v6, $0x10;
	v7 =	vand.u32 $0xFFFF0000, v7;
	v9 =	vor.u32 v62, v63  }
0x95: {  	v6 =	vor.u32 v6, v7;
	[tilespmem:v60+s22+$0x0] =	vst.idx.msk $0xffff, v9  }
0x96: {  	p0 =	por !p0, !p0;
	[tilespmem:v61+s22+$0x0] =	vst.idx.msk $0xffff, v6  }
0x97: {  	[hbm4b:s23+s2] =	stream.linear.scatter [tilespmem:s22], [sflag:s20], $0xC80, $0x38;
	[tilespmem:$0x44A0] =	vst v63  }
0x98: {  	_ =	swait.ge [sflag:s15], $0x640  }
0x99: {  	[sflag:s15] =	ssyncset.done $0x0  }
0x9a: {  	[sflag:s15] =	ssyncadd.s32 $0xFFFFF9C0  }
0x9b: {  	_ =	swait.ge [sflag:s15], $0xC8  }
0x9c: {  	[sflag:s15] =	ssyncset.done $0x0  }
0x9d: {  	s18 =	sadd.s32 $0x1, s18;
	[sflag:s15] =	ssyncadd.s32 $0xFFFFFF38  }
0x9e: {  	p0 =	sne.s32 s18, s8;
	_ =	swait.ge [sflag:s16], $0xC80  }
.Ltmp2:
0x9f: {  	[sflag:s16] =	ssyncset.done $0x0;
	(pc) =	sbr.rel @p0 .LBB2_1-.Ltmp2, $4  }
0xa0: {  	[sflag:s16] =	ssyncadd.s32 $0xFFFFF380  }
0xa1: {  	_ =	swait.ge [sflag:s17], $0xC80  }
0xa2: {  	[sflag:s17] =	ssyncset.done $0x0  }
0xa3: {  	[sflag:s17] =	ssyncadd.s32 $0xFFFFF380  }
0xa4: {  	_ =	sfence.sel $0x180000  }
0xa5: {  	[bflag:$0x0] =	sbarrier.arrive $0xFFFF  }
0xa6: {  	_ =	strace $0x90000047  }
0xa7: {  	[bflag:$0x2] =	sbarrier.arrive $0xFFFF  }
0xa8: {  	p0 =	sne.s32 s1, $0x0;
	s0 =	rddreg [dreg:$0x2]  }
0xa9: {  	s0 =	sadd.s32 @!p0 $0x100000, s0  }
0xaa: {  	[sflag:s0] =	ssyncadd.tile.s32 @!p0 $0x1;
	_ =	shalt  }
.Lfunc_end2:
_tile_overlayer_lowered:
.L_overlay_start_2:
0xab: {  	(tag) =	ssettag $0x2  }
0xac: {  	s0 =	rddreg [dreg:$0x0];
	s2 =	stileid.u32  }
0xad: {  	s1 =	rddreg [dreg:$0x1];
	p0 =	sne.s32 s2, $0x0  }
0xae: {  	s3 =	rddreg [dreg:$0x2];
	[bflag:$0x3] =	sbarrier.arrive $0xFFFF;
	s2 =	simm.s32 @!p0 $0x1C05  }
0xaf: {  	[timem:s3], [sflag:s2] =	dma.local @!p0 [hbm:s0], s1  }
0xb0: {  	s0 =	simm.s32 @!p0 $0x5  }
0xb1: {  	_ =	swait.ge @!p0 [sflag:s0], s1  }
0xb2: {  	s1 =	ssub.s32 @!p0 $0x0, s1;
	[sflag:s0] =	ssyncset.done @!p0 $0x0  }
0xb3: {  	[sflag:s0] =	ssyncadd.s32 @!p0 s1  }
0xb4: {  	[bflag:$0x3] =	sbarrier.arrive $0xFFFF  }
0xb5: {  	_ =	shalt  }

</sc_bundles>
